<compile_context>
chip_gen: v7x
topology: tpu7x:2x2x1
jax: 0.10.2.dev20260603
libtpu: 0.0.44.dev20260713+nightly
codegen_flags: <defaults>
</compile_context>

<pallas_src>
import functools

import jax
import jax.numpy as jnp
from jax import lax
from jax.experimental import pallas as pl
from jax.experimental.pallas import tpu as pltpu
from jax.experimental.pallas import tpu_sc as plsc

N = 10000
NP = 10240
E = 320000
F_IN = 128
H = 128
C = 64
CK = 16000
BN = 1024


def _pack_pairs(yT):
    half = yT.shape[0] // 2
    yb = yT.astype(jnp.bfloat16)
    lo = lax.bitcast_convert_type(yb[:half], jnp.uint16).astype(jnp.uint32)
    hi = lax.bitcast_convert_type(yb[half:], jnp.uint16).astype(jnp.uint32)
    return lax.bitcast_convert_type((hi << 16) | lo, jnp.int32)



def _stage_a_body(x_ref, w_ref, out_ref):
    yT = lax.dot_general(w_ref[...], x_ref[...], (((0,), (1,)), ((), ())),
                         preferred_element_type=jnp.float32)
    out_ref[...] = _pack_pairs(yT)


def _stage_a(xp, W1):
    return pl.pallas_call(
        _stage_a_body,
        grid=(NP // BN,),
        in_specs=[pl.BlockSpec((BN, F_IN), lambda i: (i, 0)),
                  pl.BlockSpec((F_IN, H), lambda i: (0, 0))],
        out_specs=pl.BlockSpec((H // 2, BN), lambda i: (0, i)),
        out_shape=jax.ShapeDtypeStruct((H // 2, NP), jnp.int32),
    )(xp, W1)


def _stage_b_body(acc_ref, b1_ref, w2_ref, out_ref):
    a = jnp.maximum(acc_ref[...] + b1_ref[...], 0.0)
    yT = lax.dot_general(w2_ref[...], a, (((0,), (0,)), ((), ())),
                         preferred_element_type=jnp.float32)
    out_ref[...] = _pack_pairs(yT)


def _stage_b(acc1T, b1c, W2):
    return pl.pallas_call(
        _stage_b_body,
        grid=(NP // BN,),
        in_specs=[pl.BlockSpec((H, BN), lambda i: (0, i)),
                  pl.BlockSpec((H, 1), lambda i: (0, 0)),
                  pl.BlockSpec((H, C), lambda i: (0, 0))],
        out_specs=pl.BlockSpec((C // 2, BN), lambda i: (0, i)),
        out_shape=jax.ShapeDtypeStruct((C // 2, NP), jnp.int32),
    )(acc1T, b1c, W2)


def _stage_c_body(acc_ref, b2_ref, out_ref):
    z = acc_ref[...] + b2_ref[...]
    m = jnp.max(z, axis=0, keepdims=True)
    lse = jnp.log(jnp.sum(jnp.exp(z - m), axis=0, keepdims=True)) + m
    out_ref[...] = (z - lse).T


def _stage_c(acc2T, b2c):
    return pl.pallas_call(
        _stage_c_body,
        grid=(NP // BN,),
        in_specs=[pl.BlockSpec((C, BN), lambda i: (0, i)),
                  pl.BlockSpec((C, 1), lambda i: (0, 0))],
        out_specs=pl.BlockSpec((BN, C), lambda i: (i, 0)),
        out_shape=jax.ShapeDtypeStruct((N, C), jnp.float32),
    )(acc2T, b2c)



@functools.cache
def _make_spmm(F):
    FPT = F // 32
    PPT = FPT // 2
    info = plsc.get_sparse_core_info()
    nc = info.num_cores
    mesh = plsc.VectorSubcoreMesh(core_axis_name="c", subcore_axis_name="s")
    NCH = E // CK
    assert NCH % 2 == 0

    def body(hP, sdH, wH, outH, hrows, acc, sdb, wb, sem, hsem):
        fg = lax.axis_index("s") * nc + lax.axis_index("c")
        p0 = fg * PPT
        hcopy = pltpu.async_copy(hP.at[pl.ds(p0, PPT)], hrows, hsem)

        def issue(ci, b):
            base = ci * CK
            pltpu.async_copy(sdH.at[pl.ds(base, CK)], sdb.at[b], sem.at[b])
            pltpu.async_copy(wH.at[pl.ds(base, CK)], wb.at[b], sem.at[b])

        issue(0, 0)

        z16 = jnp.zeros((16,), jnp.float32)

        @plsc.parallel_loop(0, NP, 16, unroll=8)
        def zero_body(i):
            for f in range(FPT):
                acc[f, pl.ds(i, 16)] = z16

        hcopy.wait()

        def wait(b):
            pltpu.make_async_copy(sdH.at[pl.ds(0, CK)], sdb.at[b],
                                  sem.at[b]).wait()
            pltpu.make_async_copy(wH.at[pl.ds(0, CK)], wb.at[b],
                                  sem.at[b]).wait()

        himask = jnp.full((16,), -65536, jnp.int32)

        def pair_body(pr, _):
            for b in range(2):
                ci = pr * 2 + b

                @pl.when(ci + 1 < NCH)
                def _():
                    issue(ci + 1, 1 - b)

                wait(b)

                @plsc.parallel_loop(0, CK, 16, unroll=8)
                def group_body(o):
                    sd16 = sdb[b, pl.ds(o, 16)]
                    w16 = wb[b, pl.ds(o, 16)]
                    s16 = lax.bitwise_and(sd16, jnp.full((16,), 0xffff,
                                                         jnp.int32))
                    d16 = lax.shift_right_logical(sd16, 16)
                    for p in range(PPT):
                        p16 = jnp.full((16,), p, jnp.int32)
                        pk = plsc.load_gather(hrows, [p16, s16])
                        lo = plsc.bitcast(pk << 16, jnp.float32)
                        hi = plsc.bitcast(lax.bitwise_and(pk, himask),
                                          jnp.float32)
                        plsc.addupdate_scatter(
                            acc, [p16, d16], lo * w16)
                        plsc.addupdate_scatter(
                            acc, [jnp.full((16,), p + PPT, jnp.int32), d16],
                            hi * w16)

            return 0

        lax.fori_loop(0, NCH // 2, pair_body, 0)
        pltpu.sync_copy(acc.at[pl.ds(0, PPT)], outH.at[pl.ds(p0, PPT)])
        pltpu.sync_copy(acc.at[pl.ds(PPT, PPT)],
                        outH.at[pl.ds(F // 2 + p0, PPT)])

    return pl.kernel(
        body,
        out_type=jax.ShapeDtypeStruct((F, NP), jnp.float32),
        mesh=mesh,
        compiler_params=pltpu.CompilerParams(
            use_tc_tiling_on_sc=False, needs_layout_passes=False),
        scratch_types=[
            pltpu.VMEM((PPT, NP), jnp.int32),
            pltpu.VMEM((FPT, NP), jnp.float32),
            pltpu.VMEM((2, CK), jnp.int32),
            pltpu.VMEM((2, CK), jnp.float32),
            pltpu.SemaphoreType.DMA((2,)),
            pltpu.SemaphoreType.DMA,
        ],
    )


@jax.jit
def kernel(x, edge_index, edge_weight, W1, b1, W2, b2):
    src = edge_index[1]
    dst = edge_index[0]
    sd = jnp.bitwise_or(jnp.left_shift(dst, 16), src)
    h1P = _stage_a(x, W1)
    acc1T = _make_spmm(H)(h1P, sd, edge_weight)
    h2P = _stage_b(acc1T, b1.reshape(H, 1), W2)
    acc2T = _make_spmm(C)(h2P, sd, edge_weight)
    return _stage_c(acc2T, b2.reshape(C, 1))

# --- scband reference (transcript-rebuilt; emitter-appended) ---
"""Pipeline reference for scband-gcn-48155173322928 (READ-ONLY COPY).

The authoritative reference and input builder live on the scoring server;
editing this copy changes nothing except your own understanding.
"""

import jax, jax.numpy as jnp
import numpy as np

N = 10000
E = 320000
F_IN = 128
H = 128
C = 64


def spmm(edge_index, edge_weight, h, n):
    # adj @ h with adj given in COO form: edge_index[0]=dst row, edge_index[1]=src col
    src = edge_index[1]
    dst = edge_index[0]
    msgs = h[src] * edge_weight[:, None]
    return jax.ops.segment_sum(msgs, dst, num_segments=n)


def setup_inputs(seed: int = 0) -> dict:
    key = jax.random.key(seed)
    k1, k2, k3, k4, k5, k6, k7 = jax.random.split(key, 7)
    x = jax.random.normal(k1, (N, F_IN), dtype=jnp.float32)
    edge_index = jax.random.randint(k2, (2, E), 0, N, dtype=jnp.int32)
    edge_weight = jax.random.uniform(k3, (E,), dtype=jnp.float32)
    W1 = jax.random.normal(k4, (F_IN, H), dtype=jnp.float32) * (1.0 / np.sqrt(F_IN))
    b1 = jnp.zeros((H,), dtype=jnp.float32)
    W2 = jax.random.normal(k5, (H, C), dtype=jnp.float32) * (1.0 / np.sqrt(H))
    b2 = jnp.zeros((C,), dtype=jnp.float32)
    return {"x": x, "edge_index": edge_index, "edge_weight": edge_weight,
            "W1": W1, "b1": b1, "W2": W2, "b2": b2}


def reference(x, edge_index, edge_weight, W1, b1, W2, b2):
    n = x.shape[0]
    # GraphConv1: adj @ (x @ W1) + b1, then ReLU
    h = x @ W1
    h = spmm(edge_index, edge_weight, h, n) + b1
    h = jax.nn.relu(h)
    # dropout is identity in eval mode (training=False)
    # GraphConv2: adj @ (h @ W2) + b2
    h = h @ W2
    h = spmm(edge_index, edge_weight, h, n) + b2
    return jax.nn.log_softmax(h, axis=1)

if __name__ == "__main__":
    import jax
    _d = setup_inputs()
    print(jax.jit(kernel)(*tuple(_d.values())))

</pallas_src>

<mosaic_0001>
#map = affine_map<(d0, d1) -> (0, 0)>
#map1 = affine_map<(d0, d1) -> (0)>
module attributes {stable_mosaic.version = 14 : i64} {
  func.func @body(%arg0: i32, %arg1: i32, %arg2: memref<32x10240xi32, #tpu.memory_space<hbm>>, %arg3: memref<320000xi32, #tpu.memory_space<hbm>>, %arg4: memref<320000xf32, #tpu.memory_space<hbm>>, %arg5: memref<64x10240xf32, #tpu.memory_space<hbm>>, %arg6: memref<1x10240xi32, #tpu.memory_space<vmem>>, %arg7: memref<2x10240xf32, #tpu.memory_space<vmem>>, %arg8: memref<2x16000xi32, #tpu.memory_space<vmem>>, %arg9: memref<2x16000xf32, #tpu.memory_space<vmem>>, %arg10: memref<2x!tpu.dma_semaphore, #tpu.memory_space<semaphore_mem>>, %arg11: memref<!tpu.dma_semaphore, #tpu.memory_space<semaphore_mem>>) attributes {dimension_semantics = [#tpu.dimension_semantics<core_parallel>, #tpu.dimension_semantics<subcore_parallel>], iteration_bounds = array<i64: 2, 16>, scalar_prefetch = 0 : i64, scratch_operands = 6 : i64, tpu.core_type = #tpu.core_type<sc_vector_subcore>, window_params = [{transform_indices = #map}, {transform_indices = #map1}, {transform_indices = #map1}, {transform_indices = #map}]} {
    %mul3A = arith.constant 2 : i32
    %mul3A_0 = arith.muli %arg1, %mul3A : i32
    %add3A = arith.addi %mul3A_0, %arg0 : i32
    %mul3A_1 = arith.constant 1 : i32
    %mul3A_2 = arith.muli %add3A, %mul3A_1 : i32
    %dma_start3A = arith.constant 0 : i32
    %dma_start3A_3 = tpu.memref_slice %arg2[%mul3A_2, %dma_start3A] : memref<32x10240xi32, #tpu.memory_space<hbm>> -> memref<1x10240xi32, #tpu.memory_space<hbm>>
    %dma_start3A_4 = arith.constant 0 : i32
    %dma_start3A_5 = tpu.memref_slice %arg2[%mul3A_2, %dma_start3A_4] : memref<32x10240xi32, #tpu.memory_space<hbm>> -> memref<1x10240xi32, #tpu.memory_space<hbm>>
    tpu.enqueue_dma source(%dma_start3A_5 : memref<1x10240xi32, #tpu.memory_space<hbm>>) target(%arg6 : memref<1x10240xi32, #tpu.memory_space<vmem>>) target_semaphore(%arg11 : memref<!tpu.dma_semaphore, #tpu.memory_space<semaphore_mem>>)
    %dma_start3A_6 = arith.constant 0 : i32
    %dma_start3A_7 = arith.constant 0 : i32
    %dma_start3A_8 = arith.constant 0 : i32
    %dma_start3A_9 = tpu.memref_slice %arg8[%dma_start3A_6, %dma_start3A_8] : memref<2x16000xi32, #tpu.memory_space<vmem>> -> memref<1x16000xi32, #tpu.memory_space<vmem>>
    %dma_start3A_10 = tpu.memref_squeeze %dma_start3A_9 : memref<1x16000xi32, #tpu.memory_space<vmem>> -> memref<16000xi32, #tpu.memory_space<vmem>>
    %dma_start3A_11 = arith.constant 0 : i32
    %dma_start3A_12 = tpu.memref_slice %arg3[%dma_start3A_11] : memref<320000xi32, #tpu.memory_space<hbm>> -> memref<16000xi32, #tpu.memory_space<hbm>>
    %dma_start3A_13 = tpu.memref_slice %arg10[%dma_start3A_7] : memref<2x!tpu.dma_semaphore, #tpu.memory_space<semaphore_mem>> -> memref<1x!tpu.dma_semaphore, #tpu.memory_space<semaphore_mem>>
    %dma_start3A_14 = tpu.memref_squeeze %dma_start3A_13 : memref<1x!tpu.dma_semaphore, #tpu.memory_space<semaphore_mem>> -> memref<!tpu.dma_semaphore, #tpu.memory_space<semaphore_mem>>
    %dma_start3A_15 = arith.constant 0 : i32
    %dma_start3A_16 = tpu.memref_slice %arg8[%dma_start3A_6, %dma_start3A_15] : memref<2x16000xi32, #tpu.memory_space<vmem>> -> memref<1x16000xi32, #tpu.memory_space<vmem>>
    %dma_start3A_17 = tpu.memref_squeeze %dma_start3A_16 : memref<1x16000xi32, #tpu.memory_space<vmem>> -> memref<16000xi32, #tpu.memory_space<vmem>>
    %dma_start3A_18 = arith.constant 0 : i32
    %dma_start3A_19 = tpu.memref_slice %arg3[%dma_start3A_18] : memref<320000xi32, #tpu.memory_space<hbm>> -> memref<16000xi32, #tpu.memory_space<hbm>>
    tpu.enqueue_dma source(%dma_start3A_19 : memref<16000xi32, #tpu.memory_space<hbm>>) target(%dma_start3A_17 : memref<16000xi32, #tpu.memory_space<vmem>>) target_semaphore(%dma_start3A_14 : memref<!tpu.dma_semaphore, #tpu.memory_space<semaphore_mem>>)
    %dma_start3A_20 = arith.constant 0 : i32
    %dma_start3A_21 = arith.constant 0 : i32
    %dma_start3A_22 = arith.constant 0 : i32
    %dma_start3A_23 = tpu.memref_slice %arg9[%dma_start3A_20, %dma_start3A_22] : memref<2x16000xf32, #tpu.memory_space<vmem>> -> memref<1x16000xf32, #tpu.memory_space<vmem>>
    %dma_start3A_24 = tpu.memref_squeeze %dma_start3A_23 : memref<1x16000xf32, #tpu.memory_space<vmem>> -> memref<16000xf32, #tpu.memory_space<vmem>>
    %dma_start3A_25 = arith.constant 0 : i32
    %dma_start3A_26 = tpu.memref_slice %arg4[%dma_start3A_25] : memref<320000xf32, #tpu.memory_space<hbm>> -> memref<16000xf32, #tpu.memory_space<hbm>>
    %dma_start3A_27 = tpu.memref_slice %arg10[%dma_start3A_21] : memref<2x!tpu.dma_semaphore, #tpu.memory_space<semaphore_mem>> -> memref<1x!tpu.dma_semaphore, #tpu.memory_space<semaphore_mem>>
    %dma_start3A_28 = tpu.memref_squeeze %dma_start3A_27 : memref<1x!tpu.dma_semaphore, #tpu.memory_space<semaphore_mem>> -> memref<!tpu.dma_semaphore, #tpu.memory_space<semaphore_mem>>
    %dma_start3A_29 = arith.constant 0 : i32
    %dma_start3A_30 = tpu.memref_slice %arg9[%dma_start3A_20, %dma_start3A_29] : memref<2x16000xf32, #tpu.memory_space<vmem>> -> memref<1x16000xf32, #tpu.memory_space<vmem>>
    %dma_start3A_31 = tpu.memref_squeeze %dma_start3A_30 : memref<1x16000xf32, #tpu.memory_space<vmem>> -> memref<16000xf32, #tpu.memory_space<vmem>>
    %dma_start3A_32 = arith.constant 0 : i32
    %dma_start3A_33 = tpu.memref_slice %arg4[%dma_start3A_32] : memref<320000xf32, #tpu.memory_space<hbm>> -> memref<16000xf32, #tpu.memory_space<hbm>>
    tpu.enqueue_dma source(%dma_start3A_33 : memref<16000xf32, #tpu.memory_space<hbm>>) target(%dma_start3A_31 : memref<16000xf32, #tpu.memory_space<vmem>>) target_semaphore(%dma_start3A_28 : memref<!tpu.dma_semaphore, #tpu.memory_space<semaphore_mem>>)
    %broadcast_in_dim3A = arith.constant 0.000000e+00 : f32
    %broadcast_in_dim3A_34 = vector.broadcast %broadcast_in_dim3A : f32 to vector<16xf32>
    %parallel_loop3A = arith.constant 0 : i32
    %parallel_loop3A_35 = arith.constant 10240 : i32
    %parallel_loop3A_36 = arith.constant 16 : i32
    scf.for %parallel_loop3A_50 = %parallel_loop3A to %parallel_loop3A_35 step %parallel_loop3A_36  : i32 {
      %parallel_loop3A_51 = arith.constant 0 : i32
      %parallel_loop3A_52 = arith.index_cast %parallel_loop3A_51 : i32 to index
      %parallel_loop3A_53 = arith.index_cast %parallel_loop3A_50 : i32 to index
      %parallel_loop3A_54 = tpu.vector_load %arg7[%parallel_loop3A_52, %parallel_loop3A_53] {strides = array<i32>} : memref<2x10240xf32, #tpu.memory_space<vmem>>, vector<16xf32>,
      tpu.vector_store %arg7[%parallel_loop3A_52, %parallel_loop3A_53], %broadcast_in_dim3A_34 {strides = array<i32>} : memref<2x10240xf32, #tpu.memory_space<vmem>>, vector<16xf32>,
      %parallel_loop3A_55 = arith.constant 1 : i32
      %parallel_loop3A_56 = arith.index_cast %parallel_loop3A_55 : i32 to index
      %parallel_loop3A_57 = arith.index_cast %parallel_loop3A_50 : i32 to index
      %parallel_loop3A_58 = tpu.vector_load %arg7[%parallel_loop3A_56, %parallel_loop3A_57] {strides = array<i32>} : memref<2x10240xf32, #tpu.memory_space<vmem>>, vector<16xf32>,
      tpu.vector_store %arg7[%parallel_loop3A_56, %parallel_loop3A_57], %broadcast_in_dim3A_34 {strides = array<i32>} : memref<2x10240xf32, #tpu.memory_space<vmem>>, vector<16xf32>,
    } {sc.loop_unroll_factor = 8 : i64, sc.parallel_access}
    %dma_wait3A = arith.constant 0 : i32
    %dma_wait3A_37 = tpu.memref_slice %arg2[%mul3A_2, %dma_wait3A] : memref<32x10240xi32, #tpu.memory_space<hbm>> -> memref<1x10240xi32, #tpu.memory_space<hbm>>
    %dma_wait3A_38 = arith.constant 0 : i32
    %dma_wait3A_39 = tpu.memref_slice %arg2[%mul3A_2, %dma_wait3A_38] : memref<32x10240xi32, #tpu.memory_space<hbm>> -> memref<1x10240xi32, #tpu.memory_space<hbm>>
    tpu.wait_dma2 semaphore(%arg11 : memref<!tpu.dma_semaphore, #tpu.memory_space<semaphore_mem>>) src(%dma_wait3A_39 : memref<1x10240xi32, #tpu.memory_space<hbm>>) dst(%arg6 : memref<1x10240xi32, #tpu.memory_space<vmem>>)
    %broadcast_in_dim3A_40 = arith.constant -65536 : i32
    %broadcast_in_dim3A_41 = vector.broadcast %broadcast_in_dim3A_40 : i32 to vector<16xi32>
    %scan3A = arith.constant 0 : i32
    %scan3A_42 = arith.constant 0 : i32
    %scan3A_43 = arith.constant 10 : i32
    %scan3A_44 = arith.addi %scan3A_42, %scan3A_43 : i32
    %scan3A_45 = arith.constant 1 : i32
    %scan3A_46 = scf.for %scan3A_50 = %scan3A_42 to %scan3A_44 step %scan3A_45 iter_args(%scan3A_51 = %scan3A) -> (i32)  : i32 {
      %mul3A_52 = arith.constant 2 : i32
      %mul3A_53 = arith.muli %scan3A_50, %mul3A_52 : i32
      %add3A_54 = arith.constant 0 : i32
      %add3A_55 = arith.addi %mul3A_53, %add3A_54 : i32
      %add3A_56 = arith.constant 1 : i32
      %add3A_57 = arith.addi %add3A_55, %add3A_56 : i32
      %lt3A = arith.constant 20 : i32
      %lt3A_58 = arith.cmpi slt, %add3A_57, %lt3A : i32
      %convert_element_type3A = arith.extui %lt3A_58 : i1 to i32
      %cond3A = arith.constant 0 : i32
      %cond3A_59 = arith.cmpi ne, %convert_element_type3A, %cond3A : i32
      scf.if %cond3A_59 {
        %add3A_134 = arith.constant 1 : i32
        %add3A_135 = arith.addi %add3A_55, %add3A_134 : i32
        %mul3A_136 = arith.constant 16000 : i32
        %mul3A_137 = arith.muli %add3A_135, %mul3A_136 : i32
        %dma_start3A_138 = arith.constant 1 : i32
        %dma_start3A_139 = arith.constant 1 : i32
        %dma_start3A_140 = arith.constant 0 : i32
        %dma_start3A_141 = tpu.memref_slice %arg8[%dma_start3A_138, %dma_start3A_140] : memref<2x16000xi32, #tpu.memory_space<vmem>> -> memref<1x16000xi32, #tpu.memory_space<vmem>>
        %dma_start3A_142 = tpu.memref_squeeze %dma_start3A_141 : memref<1x16000xi32, #tpu.memory_space<vmem>> -> memref<16000xi32, #tpu.memory_space<vmem>>
        %dma_start3A_143 = tpu.memref_slice %arg3[%mul3A_137] : memref<320000xi32, #tpu.memory_space<hbm>> -> memref<16000xi32, #tpu.memory_space<hbm>>
        %dma_start3A_144 = tpu.memref_slice %arg10[%dma_start3A_139] : memref<2x!tpu.dma_semaphore, #tpu.memory_space<semaphore_mem>> -> memref<1x!tpu.dma_semaphore, #tpu.memory_space<semaphore_mem>>
        %dma_start3A_145 = tpu.memref_squeeze %dma_start3A_144 : memref<1x!tpu.dma_semaphore, #tpu.memory_space<semaphore_mem>> -> memref<!tpu.dma_semaphore, #tpu.memory_space<semaphore_mem>>
        %dma_start3A_146 = arith.constant 0 : i32
        %dma_start3A_147 = tpu.memref_slice %arg8[%dma_start3A_138, %dma_start3A_146] : memref<2x16000xi32, #tpu.memory_space<vmem>> -> memref<1x16000xi32, #tpu.memory_space<vmem>>
        %dma_start3A_148 = tpu.memref_squeeze %dma_start3A_147 : memref<1x16000xi32, #tpu.memory_space<vmem>> -> memref<16000xi32, #tpu.memory_space<vmem>>
        %dma_start3A_149 = tpu.memref_slice %arg3[%mul3A_137] : memref<320000xi32, #tpu.memory_space<hbm>> -> memref<16000xi32, #tpu.memory_space<hbm>>
        tpu.enqueue_dma source(%dma_start3A_149 : memref<16000xi32, #tpu.memory_space<hbm>>) target(%dma_start3A_148 : memref<16000xi32, #tpu.memory_space<vmem>>) target_semaphore(%dma_start3A_145 : memref<!tpu.dma_semaphore, #tpu.memory_space<semaphore_mem>>)
        %dma_start3A_150 = arith.constant 1 : i32
        %dma_start3A_151 = arith.constant 1 : i32
        %dma_start3A_152 = arith.constant 0 : i32
        %dma_start3A_153 = tpu.memref_slice %arg9[%dma_start3A_150, %dma_start3A_152] : memref<2x16000xf32, #tpu.memory_space<vmem>> -> memref<1x16000xf32, #tpu.memory_space<vmem>>
        %dma_start3A_154 = tpu.memref_squeeze %dma_start3A_153 : memref<1x16000xf32, #tpu.memory_space<vmem>> -> memref<16000xf32, #tpu.memory_space<vmem>>
        %dma_start3A_155 = tpu.memref_slice %arg4[%mul3A_137] : memref<320000xf32, #tpu.memory_space<hbm>> -> memref<16000xf32, #tpu.memory_space<hbm>>
        %dma_start3A_156 = tpu.memref_slice %arg10[%dma_start3A_151] : memref<2x!tpu.dma_semaphore, #tpu.memory_space<semaphore_mem>> -> memref<1x!tpu.dma_semaphore, #tpu.memory_space<semaphore_mem>>
        %dma_start3A_157 = tpu.memref_squeeze %dma_start3A_156 : memref<1x!tpu.dma_semaphore, #tpu.memory_space<semaphore_mem>> -> memref<!tpu.dma_semaphore, #tpu.memory_space<semaphore_mem>>
        %dma_start3A_158 = arith.constant 0 : i32
        %dma_start3A_159 = tpu.memref_slice %arg9[%dma_start3A_150, %dma_start3A_158] : memref<2x16000xf32, #tpu.memory_space<vmem>> -> memref<1x16000xf32, #tpu.memory_space<vmem>>
        %dma_start3A_160 = tpu.memref_squeeze %dma_start3A_159 : memref<1x16000xf32, #tpu.memory_space<vmem>> -> memref<16000xf32, #tpu.memory_space<vmem>>
        %dma_start3A_161 = tpu.memref_slice %arg4[%mul3A_137] : memref<320000xf32, #tpu.memory_space<hbm>> -> memref<16000xf32, #tpu.memory_space<hbm>>
        tpu.enqueue_dma source(%dma_start3A_161 : memref<16000xf32, #tpu.memory_space<hbm>>) target(%dma_start3A_160 : memref<16000xf32, #tpu.memory_space<vmem>>) target_semaphore(%dma_start3A_157 : memref<!tpu.dma_semaphore, #tpu.memory_space<semaphore_mem>>)
      } else {
      }
      %dma_wait3A_60 = arith.constant 0 : i32
      %dma_wait3A_61 = arith.constant 0 : i32
      %dma_wait3A_62 = arith.constant 0 : i32
      %dma_wait3A_63 = tpu.memref_slice %arg8[%dma_wait3A_60, %dma_wait3A_62] : memref<2x16000xi32, #tpu.memory_space<vmem>> -> memref<1x16000xi32, #tpu.memory_space<vmem>>
      %dma_wait3A_64 = tpu.memref_squeeze %dma_wait3A_63 : memref<1x16000xi32, #tpu.memory_space<vmem>> -> memref<16000xi32, #tpu.memory_space<vmem>>
      %dma_wait3A_65 = arith.constant 0 : i32
      %dma_wait3A_66 = tpu.memref_slice %arg3[%dma_wait3A_65] : memref<320000xi32, #tpu.memory_space<hbm>> -> memref<16000xi32, #tpu.memory_space<hbm>>
      %dma_wait3A_67 = tpu.memref_slice %arg10[%dma_wait3A_61] : memref<2x!tpu.dma_semaphore, #tpu.memory_space<semaphore_mem>> -> memref<1x!tpu.dma_semaphore, #tpu.memory_space<semaphore_mem>>
      %dma_wait3A_68 = tpu.memref_squeeze %dma_wait3A_67 : memref<1x!tpu.dma_semaphore, #tpu.memory_space<semaphore_mem>> -> memref<!tpu.dma_semaphore, #tpu.memory_space<semaphore_mem>>
      %dma_wait3A_69 = arith.constant 0 : i32
      %dma_wait3A_70 = tpu.memref_slice %arg8[%dma_wait3A_60, %dma_wait3A_69] : memref<2x16000xi32, #tpu.memory_space<vmem>> -> memref<1x16000xi32, #tpu.memory_space<vmem>>
      %dma_wait3A_71 = tpu.memref_squeeze %dma_wait3A_70 : memref<1x16000xi32, #tpu.memory_space<vmem>> -> memref<16000xi32, #tpu.memory_space<vmem>>
      %dma_wait3A_72 = arith.constant 0 : i32
      %dma_wait3A_73 = tpu.memref_slice %arg3[%dma_wait3A_72] : memref<320000xi32, #tpu.memory_space<hbm>> -> memref<16000xi32, #tpu.memory_space<hbm>>
      tpu.wait_dma2 semaphore(%dma_wait3A_68 : memref<!tpu.dma_semaphore, #tpu.memory_space<semaphore_mem>>) src(%dma_wait3A_73 : memref<16000xi32, #tpu.memory_space<hbm>>) dst(%dma_wait3A_71 : memref<16000xi32, #tpu.memory_space<vmem>>)
      %dma_wait3A_74 = arith.constant 0 : i32
      %dma_wait3A_75 = arith.constant 0 : i32
      %dma_wait3A_76 = arith.constant 0 : i32
      %dma_wait3A_77 = tpu.memref_slice %arg9[%dma_wait3A_74, %dma_wait3A_76] : memref<2x16000xf32, #tpu.memory_space<vmem>> -> memref<1x16000xf32, #tpu.memory_space<vmem>>
      %dma_wait3A_78 = tpu.memref_squeeze %dma_wait3A_77 : memref<1x16000xf32, #tpu.memory_space<vmem>> -> memref<16000xf32, #tpu.memory_space<vmem>>
      %dma_wait3A_79 = arith.constant 0 : i32
      %dma_wait3A_80 = tpu.memref_slice %arg4[%dma_wait3A_79] : memref<320000xf32, #tpu.memory_space<hbm>> -> memref<16000xf32, #tpu.memory_space<hbm>>
      %dma_wait3A_81 = tpu.memref_slice %arg10[%dma_wait3A_75] : memref<2x!tpu.dma_semaphore, #tpu.memory_space<semaphore_mem>> -> memref<1x!tpu.dma_semaphore, #tpu.memory_space<semaphore_mem>>
      %dma_wait3A_82 = tpu.memref_squeeze %dma_wait3A_81 : memref<1x!tpu.dma_semaphore, #tpu.memory_space<semaphore_mem>> -> memref<!tpu.dma_semaphore, #tpu.memory_space<semaphore_mem>>
      %dma_wait3A_83 = arith.constant 0 : i32
      %dma_wait3A_84 = tpu.memref_slice %arg9[%dma_wait3A_74, %dma_wait3A_83] : memref<2x16000xf32, #tpu.memory_space<vmem>> -> memref<1x16000xf32, #tpu.memory_space<vmem>>
      %dma_wait3A_85 = tpu.memref_squeeze %dma_wait3A_84 : memref<1x16000xf32, #tpu.memory_space<vmem>> -> memref<16000xf32, #tpu.memory_space<vmem>>
      %dma_wait3A_86 = arith.constant 0 : i32
      %dma_wait3A_87 = tpu.memref_slice %arg4[%dma_wait3A_86] : memref<320000xf32, #tpu.memory_space<hbm>> -> memref<16000xf32, #tpu.memory_space<hbm>>
      tpu.wait_dma2 semaphore(%dma_wait3A_82 : memref<!tpu.dma_semaphore, #tpu.memory_space<semaphore_mem>>) src(%dma_wait3A_87 : memref<16000xf32, #tpu.memory_space<hbm>>) dst(%dma_wait3A_85 : memref<16000xf32, #tpu.memory_space<vmem>>)
      %parallel_loop3A_88 = arith.constant 0 : i32
      %parallel_loop3A_89 = arith.constant 16000 : i32
      %parallel_loop3A_90 = arith.constant 16 : i32
      scf.for %parallel_loop3A_134 = %parallel_loop3A_88 to %parallel_loop3A_89 step %parallel_loop3A_90  : i32 {
        %parallel_loop3A_135 = arith.constant 0 : i32
        %parallel_loop3A_136 = arith.index_cast %parallel_loop3A_135 : i32 to index
        %parallel_loop3A_137 = arith.index_cast %parallel_loop3A_134 : i32 to index
        %parallel_loop3A_138 = tpu.vector_load %arg8[%parallel_loop3A_136, %parallel_loop3A_137] {strides = array<i32>} : memref<2x16000xi32, #tpu.memory_space<vmem>>, vector<16xi32>,
        %parallel_loop3A_139 = arith.constant 0 : i32
        %parallel_loop3A_140 = arith.index_cast %parallel_loop3A_139 : i32 to index
        %parallel_loop3A_141 = arith.index_cast %parallel_loop3A_134 : i32 to index
        %parallel_loop3A_142 = tpu.vector_load %arg9[%parallel_loop3A_140, %parallel_loop3A_141] {strides = array<i32>} : memref<2x16000xf32, #tpu.memory_space<vmem>>, vector<16xf32>,
        %parallel_loop3A_143 = arith.constant 65535 : i32
        %parallel_loop3A_144 = vector.broadcast %parallel_loop3A_143 : i32 to vector<16xi32>
        %parallel_loop3A_145 = arith.andi %parallel_loop3A_138, %parallel_loop3A_144 : vector<16xi32>
        %parallel_loop3A_146 = arith.constant 16 : i32
        %parallel_loop3A_147 = vector.broadcast %parallel_loop3A_146 : i32 to vector<16xi32>
        %parallel_loop3A_148 = arith.shrui %parallel_loop3A_138, %parallel_loop3A_147 : vector<16xi32>
        %parallel_loop3A_149 = arith.constant 0 : i32
        %parallel_loop3A_150 = vector.broadcast %parallel_loop3A_149 : i32 to vector<16xi32>
        %parallel_loop3A_151 = tpu.vector_load_idx %arg6[%parallel_loop3A_150, %parallel_loop3A_145] : memref<1x10240xi32, #tpu.memory_space<vmem>>[vector<16xi32>, vector<16xi32>], vector<16xi32>,
        %parallel_loop3A_152 = arith.constant 16 : i32
        %parallel_loop3A_153 = vector.broadcast %parallel_loop3A_152 : i32 to vector<16xi32>
        %parallel_loop3A_154 = arith.shli %parallel_loop3A_151, %parallel_loop3A_153 : vector<16xi32>
        %parallel_loop3A_155 = vector.bitcast %parallel_loop3A_154 : vector<16xi32> to vector<16xf32>
        %parallel_loop3A_156 = arith.andi %parallel_loop3A_151, %broadcast_in_dim3A_41 : vector<16xi32>
        %parallel_loop3A_157 = vector.bitcast %parallel_loop3A_156 : vector<16xi32> to vector<16xf32>
        %parallel_loop3A_158 = arith.mulf %parallel_loop3A_155, %parallel_loop3A_142 : vector<16xf32>
        tpu.vector_store_idx %arg7[%parallel_loop3A_150, %parallel_loop3A_148], %parallel_loop3A_158 {add = true} : memref<2x10240xf32, #tpu.memory_space<vmem>>[vector<16xi32>, vector<16xi32>], vector<16xf32>,
        %parallel_loop3A_159 = arith.constant 1 : i32
        %parallel_loop3A_160 = vector.broadcast %parallel_loop3A_159 : i32 to vector<16xi32>
        %parallel_loop3A_161 = arith.mulf %parallel_loop3A_157, %parallel_loop3A_142 : vector<16xf32>
        tpu.vector_store_idx %arg7[%parallel_loop3A_160, %parallel_loop3A_148], %parallel_loop3A_161 {add = true} : memref<2x10240xf32, #tpu.memory_space<vmem>>[vector<16xi32>, vector<16xi32>], vector<16xf32>,
      } {sc.loop_unroll_factor = 8 : i64, sc.parallel_access}
      %mul3A_91 = arith.constant 2 : i32
      %mul3A_92 = arith.muli %scan3A_50, %mul3A_91 : i32
      %add3A_93 = arith.constant 1 : i32
      %add3A_94 = arith.addi %mul3A_92, %add3A_93 : i32
      %add3A_95 = arith.constant 1 : i32
      %add3A_96 = arith.addi %add3A_94, %add3A_95 : i32
      %lt3A_97 = arith.constant 20 : i32
      %lt3A_98 = arith.cmpi slt, %add3A_96, %lt3A_97 : i32
      %convert_element_type3A_99 = arith.extui %lt3A_98 : i1 to i32
      %cond3A_100 = arith.constant 0 : i32
      %cond3A_101 = arith.cmpi ne, %convert_element_type3A_99, %cond3A_100 : i32
      scf.if %cond3A_101 {
        %add3A_134 = arith.constant 1 : i32
        %add3A_135 = arith.addi %add3A_94, %add3A_134 : i32
        %mul3A_136 = arith.constant 16000 : i32
        %mul3A_137 = arith.muli %add3A_135, %mul3A_136 : i32
        %dma_start3A_138 = arith.constant 0 : i32
        %dma_start3A_139 = arith.constant 0 : i32
        %dma_start3A_140 = arith.constant 0 : i32
        %dma_start3A_141 = tpu.memref_slice %arg8[%dma_start3A_138, %dma_start3A_140] : memref<2x16000xi32, #tpu.memory_space<vmem>> -> memref<1x16000xi32, #tpu.memory_space<vmem>>
        %dma_start3A_142 = tpu.memref_squeeze %dma_start3A_141 : memref<1x16000xi32, #tpu.memory_space<vmem>> -> memref<16000xi32, #tpu.memory_space<vmem>>
        %dma_start3A_143 = tpu.memref_slice %arg3[%mul3A_137] : memref<320000xi32, #tpu.memory_space<hbm>> -> memref<16000xi32, #tpu.memory_space<hbm>>
        %dma_start3A_144 = tpu.memref_slice %arg10[%dma_start3A_139] : memref<2x!tpu.dma_semaphore, #tpu.memory_space<semaphore_mem>> -> memref<1x!tpu.dma_semaphore, #tpu.memory_space<semaphore_mem>>
        %dma_start3A_145 = tpu.memref_squeeze %dma_start3A_144 : memref<1x!tpu.dma_semaphore, #tpu.memory_space<semaphore_mem>> -> memref<!tpu.dma_semaphore, #tpu.memory_space<semaphore_mem>>
        %dma_start3A_146 = arith.constant 0 : i32
        %dma_start3A_147 = tpu.memref_slice %arg8[%dma_start3A_138, %dma_start3A_146] : memref<2x16000xi32, #tpu.memory_space<vmem>> -> memref<1x16000xi32, #tpu.memory_space<vmem>>
        %dma_start3A_148 = tpu.memref_squeeze %dma_start3A_147 : memref<1x16000xi32, #tpu.memory_space<vmem>> -> memref<16000xi32, #tpu.memory_space<vmem>>
        %dma_start3A_149 = tpu.memref_slice %arg3[%mul3A_137] : memref<320000xi32, #tpu.memory_space<hbm>> -> memref<16000xi32, #tpu.memory_space<hbm>>
        tpu.enqueue_dma source(%dma_start3A_149 : memref<16000xi32, #tpu.memory_space<hbm>>) target(%dma_start3A_148 : memref<16000xi32, #tpu.memory_space<vmem>>) target_semaphore(%dma_start3A_145 : memref<!tpu.dma_semaphore, #tpu.memory_space<semaphore_mem>>)
        %dma_start3A_150 = arith.constant 0 : i32
        %dma_start3A_151 = arith.constant 0 : i32
        %dma_start3A_152 = arith.constant 0 : i32
        %dma_start3A_153 = tpu.memref_slice %arg9[%dma_start3A_150, %dma_start3A_152] : memref<2x16000xf32, #tpu.memory_space<vmem>> -> memref<1x16000xf32, #tpu.memory_space<vmem>>
        %dma_start3A_154 = tpu.memref_squeeze %dma_start3A_153 : memref<1x16000xf32, #tpu.memory_space<vmem>> -> memref<16000xf32, #tpu.memory_space<vmem>>
        %dma_start3A_155 = tpu.memref_slice %arg4[%mul3A_137] : memref<320000xf32, #tpu.memory_space<hbm>> -> memref<16000xf32, #tpu.memory_space<hbm>>
        %dma_start3A_156 = tpu.memref_slice %arg10[%dma_start3A_151] : memref<2x!tpu.dma_semaphore, #tpu.memory_space<semaphore_mem>> -> memref<1x!tpu.dma_semaphore, #tpu.memory_space<semaphore_mem>>
        %dma_start3A_157 = tpu.memref_squeeze %dma_start3A_156 : memref<1x!tpu.dma_semaphore, #tpu.memory_space<semaphore_mem>> -> memref<!tpu.dma_semaphore, #tpu.memory_space<semaphore_mem>>
        %dma_start3A_158 = arith.constant 0 : i32
        %dma_start3A_159 = tpu.memref_slice %arg9[%dma_start3A_150, %dma_start3A_158] : memref<2x16000xf32, #tpu.memory_space<vmem>> -> memref<1x16000xf32, #tpu.memory_space<vmem>>
        %dma_start3A_160 = tpu.memref_squeeze %dma_start3A_159 : memref<1x16000xf32, #tpu.memory_space<vmem>> -> memref<16000xf32, #tpu.memory_space<vmem>>
        %dma_start3A_161 = tpu.memref_slice %arg4[%mul3A_137] : memref<320000xf32, #tpu.memory_space<hbm>> -> memref<16000xf32, #tpu.memory_space<hbm>>
        tpu.enqueue_dma source(%dma_start3A_161 : memref<16000xf32, #tpu.memory_space<hbm>>) target(%dma_start3A_160 : memref<16000xf32, #tpu.memory_space<vmem>>) target_semaphore(%dma_start3A_157 : memref<!tpu.dma_semaphore, #tpu.memory_space<semaphore_mem>>)
      } else {
      }
      %dma_wait3A_102 = arith.constant 1 : i32
      %dma_wait3A_103 = arith.constant 1 : i32
      %dma_wait3A_104 = arith.constant 0 : i32
      %dma_wait3A_105 = tpu.memref_slice %arg8[%dma_wait3A_102, %dma_wait3A_104] : memref<2x16000xi32, #tpu.memory_space<vmem>> -> memref<1x16000xi32, #tpu.memory_space<vmem>>
      %dma_wait3A_106 = tpu.memref_squeeze %dma_wait3A_105 : memref<1x16000xi32, #tpu.memory_space<vmem>> -> memref<16000xi32, #tpu.memory_space<vmem>>
      %dma_wait3A_107 = arith.constant 0 : i32
      %dma_wait3A_108 = tpu.memref_slice %arg3[%dma_wait3A_107] : memref<320000xi32, #tpu.memory_space<hbm>> -> memref<16000xi32, #tpu.memory_space<hbm>>
      %dma_wait3A_109 = tpu.memref_slice %arg10[%dma_wait3A_103] : memref<2x!tpu.dma_semaphore, #tpu.memory_space<semaphore_mem>> -> memref<1x!tpu.dma_semaphore, #tpu.memory_space<semaphore_mem>>
      %dma_wait3A_110 = tpu.memref_squeeze %dma_wait3A_109 : memref<1x!tpu.dma_semaphore, #tpu.memory_space<semaphore_mem>> -> memref<!tpu.dma_semaphore, #tpu.memory_space<semaphore_mem>>
      %dma_wait3A_111 = arith.constant 0 : i32
      %dma_wait3A_112 = tpu.memref_slice %arg8[%dma_wait3A_102, %dma_wait3A_111] : memref<2x16000xi32, #tpu.memory_space<vmem>> -> memref<1x16000xi32, #tpu.memory_space<vmem>>
      %dma_wait3A_113 = tpu.memref_squeeze %dma_wait3A_112 : memref<1x16000xi32, #tpu.memory_space<vmem>> -> memref<16000xi32, #tpu.memory_space<vmem>>
      %dma_wait3A_114 = arith.constant 0 : i32
      %dma_wait3A_115 = tpu.memref_slice %arg3[%dma_wait3A_114] : memref<320000xi32, #tpu.memory_space<hbm>> -> memref<16000xi32, #tpu.memory_space<hbm>>
      tpu.wait_dma2 semaphore(%dma_wait3A_110 : memref<!tpu.dma_semaphore, #tpu.memory_space<semaphore_mem>>) src(%dma_wait3A_115 : memref<16000xi32, #tpu.memory_space<hbm>>) dst(%dma_wait3A_113 : memref<16000xi32, #tpu.memory_space<vmem>>)
      %dma_wait3A_116 = arith.constant 1 : i32
      %dma_wait3A_117 = arith.constant 1 : i32
      %dma_wait3A_118 = arith.constant 0 : i32
      %dma_wait3A_119 = tpu.memref_slice %arg9[%dma_wait3A_116, %dma_wait3A_118] : memref<2x16000xf32, #tpu.memory_space<vmem>> -> memref<1x16000xf32, #tpu.memory_space<vmem>>
      %dma_wait3A_120 = tpu.memref_squeeze %dma_wait3A_119 : memref<1x16000xf32, #tpu.memory_space<vmem>> -> memref<16000xf32, #tpu.memory_space<vmem>>
      %dma_wait3A_121 = arith.constant 0 : i32
      %dma_wait3A_122 = tpu.memref_slice %arg4[%dma_wait3A_121] : memref<320000xf32, #tpu.memory_space<hbm>> -> memref<16000xf32, #tpu.memory_space<hbm>>
      %dma_wait3A_123 = tpu.memref_slice %arg10[%dma_wait3A_117] : memref<2x!tpu.dma_semaphore, #tpu.memory_space<semaphore_mem>> -> memref<1x!tpu.dma_semaphore, #tpu.memory_space<semaphore_mem>>
      %dma_wait3A_124 = tpu.memref_squeeze %dma_wait3A_123 : memref<1x!tpu.dma_semaphore, #tpu.memory_space<semaphore_mem>> -> memref<!tpu.dma_semaphore, #tpu.memory_space<semaphore_mem>>
      %dma_wait3A_125 = arith.constant 0 : i32
      %dma_wait3A_126 = tpu.memref_slice %arg9[%dma_wait3A_116, %dma_wait3A_125] : memref<2x16000xf32, #tpu.memory_space<vmem>> -> memref<1x16000xf32, #tpu.memory_space<vmem>>
      %dma_wait3A_127 = tpu.memref_squeeze %dma_wait3A_126 : memref<1x16000xf32, #tpu.memory_space<vmem>> -> memref<16000xf32, #tpu.memory_space<vmem>>
      %dma_wait3A_128 = arith.constant 0 : i32
      %dma_wait3A_129 = tpu.memref_slice %arg4[%dma_wait3A_128] : memref<320000xf32, #tpu.memory_space<hbm>> -> memref<16000xf32, #tpu.memory_space<hbm>>
      tpu.wait_dma2 semaphore(%dma_wait3A_124 : memref<!tpu.dma_semaphore, #tpu.memory_space<semaphore_mem>>) src(%dma_wait3A_129 : memref<16000xf32, #tpu.memory_space<hbm>>) dst(%dma_wait3A_127 : memref<16000xf32, #tpu.memory_space<vmem>>)
      %parallel_loop3A_130 = arith.constant 0 : i32
      %parallel_loop3A_131 = arith.constant 16000 : i32
      %parallel_loop3A_132 = arith.constant 16 : i32
      scf.for %parallel_loop3A_134 = %parallel_loop3A_130 to %parallel_loop3A_131 step %parallel_loop3A_132  : i32 {
        %parallel_loop3A_135 = arith.constant 1 : i32
        %parallel_loop3A_136 = arith.index_cast %parallel_loop3A_135 : i32 to index
        %parallel_loop3A_137 = arith.index_cast %parallel_loop3A_134 : i32 to index
        %parallel_loop3A_138 = tpu.vector_load %arg8[%parallel_loop3A_136, %parallel_loop3A_137] {strides = array<i32>} : memref<2x16000xi32, #tpu.memory_space<vmem>>, vector<16xi32>,
        %parallel_loop3A_139 = arith.constant 1 : i32
        %parallel_loop3A_140 = arith.index_cast %parallel_loop3A_139 : i32 to index
        %parallel_loop3A_141 = arith.index_cast %parallel_loop3A_134 : i32 to index
        %parallel_loop3A_142 = tpu.vector_load %arg9[%parallel_loop3A_140, %parallel_loop3A_141] {strides = array<i32>} : memref<2x16000xf32, #tpu.memory_space<vmem>>, vector<16xf32>,
        %parallel_loop3A_143 = arith.constant 65535 : i32
        %parallel_loop3A_144 = vector.broadcast %parallel_loop3A_143 : i32 to vector<16xi32>
        %parallel_loop3A_145 = arith.andi %parallel_loop3A_138, %parallel_loop3A_144 : vector<16xi32>
        %parallel_loop3A_146 = arith.constant 16 : i32
        %parallel_loop3A_147 = vector.broadcast %parallel_loop3A_146 : i32 to vector<16xi32>
        %parallel_loop3A_148 = arith.shrui %parallel_loop3A_138, %parallel_loop3A_147 : vector<16xi32>
        %parallel_loop3A_149 = arith.constant 0 : i32
        %parallel_loop3A_150 = vector.broadcast %parallel_loop3A_149 : i32 to vector<16xi32>
        %parallel_loop3A_151 = tpu.vector_load_idx %arg6[%parallel_loop3A_150, %parallel_loop3A_145] : memref<1x10240xi32, #tpu.memory_space<vmem>>[vector<16xi32>, vector<16xi32>], vector<16xi32>,
        %parallel_loop3A_152 = arith.constant 16 : i32
        %parallel_loop3A_153 = vector.broadcast %parallel_loop3A_152 : i32 to vector<16xi32>
        %parallel_loop3A_154 = arith.shli %parallel_loop3A_151, %parallel_loop3A_153 : vector<16xi32>
        %parallel_loop3A_155 = vector.bitcast %parallel_loop3A_154 : vector<16xi32> to vector<16xf32>
        %parallel_loop3A_156 = arith.andi %parallel_loop3A_151, %broadcast_in_dim3A_41 : vector<16xi32>
        %parallel_loop3A_157 = vector.bitcast %parallel_loop3A_156 : vector<16xi32> to vector<16xf32>
        %parallel_loop3A_158 = arith.mulf %parallel_loop3A_155, %parallel_loop3A_142 : vector<16xf32>
        tpu.vector_store_idx %arg7[%parallel_loop3A_150, %parallel_loop3A_148], %parallel_loop3A_158 {add = true} : memref<2x10240xf32, #tpu.memory_space<vmem>>[vector<16xi32>, vector<16xi32>], vector<16xf32>,
        %parallel_loop3A_159 = arith.constant 1 : i32
        %parallel_loop3A_160 = vector.broadcast %parallel_loop3A_159 : i32 to vector<16xi32>
        %parallel_loop3A_161 = arith.mulf %parallel_loop3A_157, %parallel_loop3A_142 : vector<16xf32>
        tpu.vector_store_idx %arg7[%parallel_loop3A_160, %parallel_loop3A_148], %parallel_loop3A_161 {add = true} : memref<2x10240xf32, #tpu.memory_space<vmem>>[vector<16xi32>, vector<16xi32>], vector<16xf32>,
      } {sc.loop_unroll_factor = 8 : i64, sc.parallel_access}
      %scan3A_133 = arith.constant 0 : i32
      scf.yield %scan3A_133 : i32
    }
    %scan3A_47 = arith.constant 10 : i32
    "tpu.region"() ({
      %run_scoped3A = tpu.sem_alloc : memref<!tpu.dma_semaphore, #tpu.memory_space<semaphore_mem>>
      %dma_start3A_50 = arith.constant 0 : i32
      %dma_start3A_51 = arith.constant 0 : i32
      %dma_start3A_52 = tpu.memref_slice %arg7[%dma_start3A_50, %dma_start3A_51] : memref<2x10240xf32, #tpu.memory_space<vmem>> -> memref<1x10240xf32, #tpu.memory_space<vmem>>
      %dma_start3A_53 = arith.constant 0 : i32
      %dma_start3A_54 = tpu.memref_slice %arg5[%mul3A_2, %dma_start3A_53] : memref<64x10240xf32, #tpu.memory_space<hbm>> -> memref<1x10240xf32, #tpu.memory_space<hbm>>
      %dma_start3A_55 = arith.constant 0 : i32
      %dma_start3A_56 = tpu.memref_slice %arg5[%mul3A_2, %dma_start3A_55] : memref<64x10240xf32, #tpu.memory_space<hbm>> -> memref<1x10240xf32, #tpu.memory_space<hbm>>
      %dma_start3A_57 = arith.constant 0 : i32
      %dma_start3A_58 = arith.constant 0 : i32
      %dma_start3A_59 = tpu.memref_slice %arg7[%dma_start3A_57, %dma_start3A_58] : memref<2x10240xf32, #tpu.memory_space<vmem>> -> memref<1x10240xf32, #tpu.memory_space<vmem>>
      tpu.enqueue_dma source(%dma_start3A_59 : memref<1x10240xf32, #tpu.memory_space<vmem>>) target(%dma_start3A_56 : memref<1x10240xf32, #tpu.memory_space<hbm>>) target_semaphore(%run_scoped3A : memref<!tpu.dma_semaphore, #tpu.memory_space<semaphore_mem>>)
      %dma_wait3A_60 = arith.constant 0 : i32
      %dma_wait3A_61 = arith.constant 0 : i32
      %dma_wait3A_62 = tpu.memref_slice %arg7[%dma_wait3A_60, %dma_wait3A_61] : memref<2x10240xf32, #tpu.memory_space<vmem>> -> memref<1x10240xf32, #tpu.memory_space<vmem>>
      %dma_wait3A_63 = arith.constant 0 : i32
      %dma_wait3A_64 = tpu.memref_slice %arg5[%mul3A_2, %dma_wait3A_63] : memref<64x10240xf32, #tpu.memory_space<hbm>> -> memref<1x10240xf32, #tpu.memory_space<hbm>>
      %dma_wait3A_65 = arith.constant 0 : i32
      %dma_wait3A_66 = tpu.memref_slice %arg5[%mul3A_2, %dma_wait3A_65] : memref<64x10240xf32, #tpu.memory_space<hbm>> -> memref<1x10240xf32, #tpu.memory_space<hbm>>
      %dma_wait3A_67 = arith.constant 0 : i32
      %dma_wait3A_68 = arith.constant 0 : i32
      %dma_wait3A_69 = tpu.memref_slice %arg7[%dma_wait3A_67, %dma_wait3A_68] : memref<2x10240xf32, #tpu.memory_space<vmem>> -> memref<1x10240xf32, #tpu.memory_space<vmem>>
      tpu.wait_dma2 semaphore(%run_scoped3A : memref<!tpu.dma_semaphore, #tpu.memory_space<semaphore_mem>>) src(%dma_wait3A_69 : memref<1x10240xf32, #tpu.memory_space<vmem>>) dst(%dma_wait3A_66 : memref<1x10240xf32, #tpu.memory_space<hbm>>)
      tpu.yield
    }) : () -> ()
    %add3A_48 = arith.constant 32 : i32
    %add3A_49 = arith.addi %add3A_48, %mul3A_2 : i32
    "tpu.region"() ({
      %run_scoped3A = tpu.sem_alloc : memref<!tpu.dma_semaphore, #tpu.memory_space<semaphore_mem>>
      %dma_start3A_50 = arith.constant 1 : i32
      %dma_start3A_51 = arith.constant 0 : i32
      %dma_start3A_52 = tpu.memref_slice %arg7[%dma_start3A_50, %dma_start3A_51] : memref<2x10240xf32, #tpu.memory_space<vmem>> -> memref<1x10240xf32, #tpu.memory_space<vmem>>
      %dma_start3A_53 = arith.constant 0 : i32
      %dma_start3A_54 = tpu.memref_slice %arg5[%add3A_49, %dma_start3A_53] : memref<64x10240xf32, #tpu.memory_space<hbm>> -> memref<1x10240xf32, #tpu.memory_space<hbm>>
      %dma_start3A_55 = arith.constant 0 : i32
      %dma_start3A_56 = tpu.memref_slice %arg5[%add3A_49, %dma_start3A_55] : memref<64x10240xf32, #tpu.memory_space<hbm>> -> memref<1x10240xf32, #tpu.memory_space<hbm>>
      %dma_start3A_57 = arith.constant 1 : i32
      %dma_start3A_58 = arith.constant 0 : i32
      %dma_start3A_59 = tpu.memref_slice %arg7[%dma_start3A_57, %dma_start3A_58] : memref<2x10240xf32, #tpu.memory_space<vmem>> -> memref<1x10240xf32, #tpu.memory_space<vmem>>
      tpu.enqueue_dma source(%dma_start3A_59 : memref<1x10240xf32, #tpu.memory_space<vmem>>) target(%dma_start3A_56 : memref<1x10240xf32, #tpu.memory_space<hbm>>) target_semaphore(%run_scoped3A : memref<!tpu.dma_semaphore, #tpu.memory_space<semaphore_mem>>)
      %dma_wait3A_60 = arith.constant 1 : i32
      %dma_wait3A_61 = arith.constant 0 : i32
      %dma_wait3A_62 = tpu.memref_slice %arg7[%dma_wait3A_60, %dma_wait3A_61] : memref<2x10240xf32, #tpu.memory_space<vmem>> -> memref<1x10240xf32, #tpu.memory_space<vmem>>
      %dma_wait3A_63 = arith.constant 0 : i32
      %dma_wait3A_64 = tpu.memref_slice %arg5[%add3A_49, %dma_wait3A_63] : memref<64x10240xf32, #tpu.memory_space<hbm>> -> memref<1x10240xf32, #tpu.memory_space<hbm>>
      %dma_wait3A_65 = arith.constant 0 : i32
      %dma_wait3A_66 = tpu.memref_slice %arg5[%add3A_49, %dma_wait3A_65] : memref<64x10240xf32, #tpu.memory_space<hbm>> -> memref<1x10240xf32, #tpu.memory_space<hbm>>
      %dma_wait3A_67 = arith.constant 1 : i32
      %dma_wait3A_68 = arith.constant 0 : i32
      %dma_wait3A_69 = tpu.memref_slice %arg7[%dma_wait3A_67, %dma_wait3A_68] : memref<2x10240xf32, #tpu.memory_space<vmem>> -> memref<1x10240xf32, #tpu.memory_space<vmem>>
      tpu.wait_dma2 semaphore(%run_scoped3A : memref<!tpu.dma_semaphore, #tpu.memory_space<semaphore_mem>>) src(%dma_wait3A_69 : memref<1x10240xf32, #tpu.memory_space<vmem>>) dst(%dma_wait3A_66 : memref<1x10240xf32, #tpu.memory_space<hbm>>)
      tpu.yield
    }) : () -> ()
    return
  }
}

#map = affine_map<(d0, d1) -> (0, 0)>
#map1 = affine_map<(d0, d1) -> (0)>
module attributes {stable_mosaic.version = 14 : i64} {
  func.func @body(%arg0: i32, %arg1: i32, %arg2: memref<64x10240xi32, #tpu.memory_space<hbm>>, %arg3: memref<320000xi32, #tpu.memory_space<hbm>>, %arg4: memref<320000xf32, #tpu.memory_space<hbm>>, %arg5: memref<128x10240xf32, #tpu.memory_space<hbm>>, %arg6: memref<2x10240xi32, #tpu.memory_space<vmem>>, %arg7: memref<4x10240xf32, #tpu.memory_space<vmem>>, %arg8: memref<2x16000xi32, #tpu.memory_space<vmem>>, %arg9: memref<2x16000xf32, #tpu.memory_space<vmem>>, %arg10: memref<2x!tpu.dma_semaphore, #tpu.memory_space<semaphore_mem>>, %arg11: memref<!tpu.dma_semaphore, #tpu.memory_space<semaphore_mem>>) attributes {dimension_semantics = [#tpu.dimension_semantics<core_parallel>, #tpu.dimension_semantics<subcore_parallel>], iteration_bounds = array<i64: 2, 16>, scalar_prefetch = 0 : i64, scratch_operands = 6 : i64, tpu.core_type = #tpu.core_type<sc_vector_subcore>, window_params = [{transform_indices = #map}, {transform_indices = #map1}, {transform_indices = #map1}, {transform_indices = #map}]} {
    %mul3A = arith.constant 2 : i32
    %mul3A_0 = arith.muli %arg1, %mul3A : i32
    %add3A = arith.addi %mul3A_0, %arg0 : i32
    %mul3A_1 = arith.constant 2 : i32
    %mul3A_2 = arith.muli %add3A, %mul3A_1 : i32
    %dma_start3A = arith.constant 0 : i32
    %dma_start3A_3 = tpu.memref_slice %arg2[%mul3A_2, %dma_start3A] : memref<64x10240xi32, #tpu.memory_space<hbm>> -> memref<2x10240xi32, #tpu.memory_space<hbm>>
    %dma_start3A_4 = arith.constant 0 : i32
    %dma_start3A_5 = tpu.memref_slice %arg2[%mul3A_2, %dma_start3A_4] : memref<64x10240xi32, #tpu.memory_space<hbm>> -> memref<2x10240xi32, #tpu.memory_space<hbm>>
    tpu.enqueue_dma source(%dma_start3A_5 : memref<2x10240xi32, #tpu.memory_space<hbm>>) target(%arg6 : memref<2x10240xi32, #tpu.memory_space<vmem>>) target_semaphore(%arg11 : memref<!tpu.dma_semaphore, #tpu.memory_space<semaphore_mem>>)
    %dma_start3A_6 = arith.constant 0 : i32
    %dma_start3A_7 = arith.constant 0 : i32
    %dma_start3A_8 = arith.constant 0 : i32
    %dma_start3A_9 = tpu.memref_slice %arg8[%dma_start3A_6, %dma_start3A_8] : memref<2x16000xi32, #tpu.memory_space<vmem>> -> memref<1x16000xi32, #tpu.memory_space<vmem>>
    %dma_start3A_10 = tpu.memref_squeeze %dma_start3A_9 : memref<1x16000xi32, #tpu.memory_space<vmem>> -> memref<16000xi32, #tpu.memory_space<vmem>>
    %dma_start3A_11 = arith.constant 0 : i32
    %dma_start3A_12 = tpu.memref_slice %arg3[%dma_start3A_11] : memref<320000xi32, #tpu.memory_space<hbm>> -> memref<16000xi32, #tpu.memory_space<hbm>>
    %dma_start3A_13 = tpu.memref_slice %arg10[%dma_start3A_7] : memref<2x!tpu.dma_semaphore, #tpu.memory_space<semaphore_mem>> -> memref<1x!tpu.dma_semaphore, #tpu.memory_space<semaphore_mem>>
    %dma_start3A_14 = tpu.memref_squeeze %dma_start3A_13 : memref<1x!tpu.dma_semaphore, #tpu.memory_space<semaphore_mem>> -> memref<!tpu.dma_semaphore, #tpu.memory_space<semaphore_mem>>
    %dma_start3A_15 = arith.constant 0 : i32
    %dma_start3A_16 = tpu.memref_slice %arg8[%dma_start3A_6, %dma_start3A_15] : memref<2x16000xi32, #tpu.memory_space<vmem>> -> memref<1x16000xi32, #tpu.memory_space<vmem>>
    %dma_start3A_17 = tpu.memref_squeeze %dma_start3A_16 : memref<1x16000xi32, #tpu.memory_space<vmem>> -> memref<16000xi32, #tpu.memory_space<vmem>>
    %dma_start3A_18 = arith.constant 0 : i32
    %dma_start3A_19 = tpu.memref_slice %arg3[%dma_start3A_18] : memref<320000xi32, #tpu.memory_space<hbm>> -> memref<16000xi32, #tpu.memory_space<hbm>>
    tpu.enqueue_dma source(%dma_start3A_19 : memref<16000xi32, #tpu.memory_space<hbm>>) target(%dma_start3A_17 : memref<16000xi32, #tpu.memory_space<vmem>>) target_semaphore(%dma_start3A_14 : memref<!tpu.dma_semaphore, #tpu.memory_space<semaphore_mem>>)
    %dma_start3A_20 = arith.constant 0 : i32
    %dma_start3A_21 = arith.constant 0 : i32
    %dma_start3A_22 = arith.constant 0 : i32
    %dma_start3A_23 = tpu.memref_slice %arg9[%dma_start3A_20, %dma_start3A_22] : memref<2x16000xf32, #tpu.memory_space<vmem>> -> memref<1x16000xf32, #tpu.memory_space<vmem>>
    %dma_start3A_24 = tpu.memref_squeeze %dma_start3A_23 : memref<1x16000xf32, #tpu.memory_space<vmem>> -> memref<16000xf32, #tpu.memory_space<vmem>>
    %dma_start3A_25 = arith.constant 0 : i32
    %dma_start3A_26 = tpu.memref_slice %arg4[%dma_start3A_25] : memref<320000xf32, #tpu.memory_space<hbm>> -> memref<16000xf32, #tpu.memory_space<hbm>>
    %dma_start3A_27 = tpu.memref_slice %arg10[%dma_start3A_21] : memref<2x!tpu.dma_semaphore, #tpu.memory_space<semaphore_mem>> -> memref<1x!tpu.dma_semaphore, #tpu.memory_space<semaphore_mem>>
    %dma_start3A_28 = tpu.memref_squeeze %dma_start3A_27 : memref<1x!tpu.dma_semaphore, #tpu.memory_space<semaphore_mem>> -> memref<!tpu.dma_semaphore, #tpu.memory_space<semaphore_mem>>
    %dma_start3A_29 = arith.constant 0 : i32
    %dma_start3A_30 = tpu.memref_slice %arg9[%dma_start3A_20, %dma_start3A_29] : memref<2x16000xf32, #tpu.memory_space<vmem>> -> memref<1x16000xf32, #tpu.memory_space<vmem>>
    %dma_start3A_31 = tpu.memref_squeeze %dma_start3A_30 : memref<1x16000xf32, #tpu.memory_space<vmem>> -> memref<16000xf32, #tpu.memory_space<vmem>>
    %dma_start3A_32 = arith.constant 0 : i32
    %dma_start3A_33 = tpu.memref_slice %arg4[%dma_start3A_32] : memref<320000xf32, #tpu.memory_space<hbm>> -> memref<16000xf32, #tpu.memory_space<hbm>>
    tpu.enqueue_dma source(%dma_start3A_33 : memref<16000xf32, #tpu.memory_space<hbm>>) target(%dma_start3A_31 : memref<16000xf32, #tpu.memory_space<vmem>>) target_semaphore(%dma_start3A_28 : memref<!tpu.dma_semaphore, #tpu.memory_space<semaphore_mem>>)
    %broadcast_in_dim3A = arith.constant 0.000000e+00 : f32
    %broadcast_in_dim3A_34 = vector.broadcast %broadcast_in_dim3A : f32 to vector<16xf32>
    %parallel_loop3A = arith.constant 0 : i32
    %parallel_loop3A_35 = arith.constant 10240 : i32
    %parallel_loop3A_36 = arith.constant 16 : i32
    scf.for %parallel_loop3A_50 = %parallel_loop3A to %parallel_loop3A_35 step %parallel_loop3A_36  : i32 {
      %parallel_loop3A_51 = arith.constant 0 : i32
      %parallel_loop3A_52 = arith.index_cast %parallel_loop3A_51 : i32 to index
      %parallel_loop3A_53 = arith.index_cast %parallel_loop3A_50 : i32 to index
      %parallel_loop3A_54 = tpu.vector_load %arg7[%parallel_loop3A_52, %parallel_loop3A_53] {strides = array<i32>} : memref<4x10240xf32, #tpu.memory_space<vmem>>, vector<16xf32>,
      tpu.vector_store %arg7[%parallel_loop3A_52, %parallel_loop3A_53], %broadcast_in_dim3A_34 {strides = array<i32>} : memref<4x10240xf32, #tpu.memory_space<vmem>>, vector<16xf32>,
      %parallel_loop3A_55 = arith.constant 1 : i32
      %parallel_loop3A_56 = arith.index_cast %parallel_loop3A_55 : i32 to index
      %parallel_loop3A_57 = arith.index_cast %parallel_loop3A_50 : i32 to index
      %parallel_loop3A_58 = tpu.vector_load %arg7[%parallel_loop3A_56, %parallel_loop3A_57] {strides = array<i32>} : memref<4x10240xf32, #tpu.memory_space<vmem>>, vector<16xf32>,
      tpu.vector_store %arg7[%parallel_loop3A_56, %parallel_loop3A_57], %broadcast_in_dim3A_34 {strides = array<i32>} : memref<4x10240xf32, #tpu.memory_space<vmem>>, vector<16xf32>,
      %parallel_loop3A_59 = arith.constant 2 : i32
      %parallel_loop3A_60 = arith.index_cast %parallel_loop3A_59 : i32 to index
      %parallel_loop3A_61 = arith.index_cast %parallel_loop3A_50 : i32 to index
      %parallel_loop3A_62 = tpu.vector_load %arg7[%parallel_loop3A_60, %parallel_loop3A_61] {strides = array<i32>} : memref<4x10240xf32, #tpu.memory_space<vmem>>, vector<16xf32>,
      tpu.vector_store %arg7[%parallel_loop3A_60, %parallel_loop3A_61], %broadcast_in_dim3A_34 {strides = array<i32>} : memref<4x10240xf32, #tpu.memory_space<vmem>>, vector<16xf32>,
      %parallel_loop3A_63 = arith.constant 3 : i32
      %parallel_loop3A_64 = arith.index_cast %parallel_loop3A_63 : i32 to index
      %parallel_loop3A_65 = arith.index_cast %parallel_loop3A_50 : i32 to index
      %parallel_loop3A_66 = tpu.vector_load %arg7[%parallel_loop3A_64, %parallel_loop3A_65] {strides = array<i32>} : memref<4x10240xf32, #tpu.memory_space<vmem>>, vector<16xf32>,
      tpu.vector_store %arg7[%parallel_loop3A_64, %parallel_loop3A_65], %broadcast_in_dim3A_34 {strides = array<i32>} : memref<4x10240xf32, #tpu.memory_space<vmem>>, vector<16xf32>,
    } {sc.loop_unroll_factor = 8 : i64, sc.parallel_access}
    %dma_wait3A = arith.constant 0 : i32
    %dma_wait3A_37 = tpu.memref_slice %arg2[%mul3A_2, %dma_wait3A] : memref<64x10240xi32, #tpu.memory_space<hbm>> -> memref<2x10240xi32, #tpu.memory_space<hbm>>
    %dma_wait3A_38 = arith.constant 0 : i32
    %dma_wait3A_39 = tpu.memref_slice %arg2[%mul3A_2, %dma_wait3A_38] : memref<64x10240xi32, #tpu.memory_space<hbm>> -> memref<2x10240xi32, #tpu.memory_space<hbm>>
    tpu.wait_dma2 semaphore(%arg11 : memref<!tpu.dma_semaphore, #tpu.memory_space<semaphore_mem>>) src(%dma_wait3A_39 : memref<2x10240xi32, #tpu.memory_space<hbm>>) dst(%arg6 : memref<2x10240xi32, #tpu.memory_space<vmem>>)
    %broadcast_in_dim3A_40 = arith.constant -65536 : i32
    %broadcast_in_dim3A_41 = vector.broadcast %broadcast_in_dim3A_40 : i32 to vector<16xi32>
    %scan3A = arith.constant 0 : i32
    %scan3A_42 = arith.constant 0 : i32
    %scan3A_43 = arith.constant 10 : i32
    %scan3A_44 = arith.addi %scan3A_42, %scan3A_43 : i32
    %scan3A_45 = arith.constant 1 : i32
    %scan3A_46 = scf.for %scan3A_50 = %scan3A_42 to %scan3A_44 step %scan3A_45 iter_args(%scan3A_51 = %scan3A) -> (i32)  : i32 {
      %mul3A_52 = arith.constant 2 : i32
      %mul3A_53 = arith.muli %scan3A_50, %mul3A_52 : i32
      %add3A_54 = arith.constant 0 : i32
      %add3A_55 = arith.addi %mul3A_53, %add3A_54 : i32
      %add3A_56 = arith.constant 1 : i32
      %add3A_57 = arith.addi %add3A_55, %add3A_56 : i32
      %lt3A = arith.constant 20 : i32
      %lt3A_58 = arith.cmpi slt, %add3A_57, %lt3A : i32
      %convert_element_type3A = arith.extui %lt3A_58 : i1 to i32
      %cond3A = arith.constant 0 : i32
      %cond3A_59 = arith.cmpi ne, %convert_element_type3A, %cond3A : i32
      scf.if %cond3A_59 {
        %add3A_134 = arith.constant 1 : i32
        %add3A_135 = arith.addi %add3A_55, %add3A_134 : i32
        %mul3A_136 = arith.constant 16000 : i32
        %mul3A_137 = arith.muli %add3A_135, %mul3A_136 : i32
        %dma_start3A_138 = arith.constant 1 : i32
        %dma_start3A_139 = arith.constant 1 : i32
        %dma_start3A_140 = arith.constant 0 : i32
        %dma_start3A_141 = tpu.memref_slice %arg8[%dma_start3A_138, %dma_start3A_140] : memref<2x16000xi32, #tpu.memory_space<vmem>> -> memref<1x16000xi32, #tpu.memory_space<vmem>>
        %dma_start3A_142 = tpu.memref_squeeze %dma_start3A_141 : memref<1x16000xi32, #tpu.memory_space<vmem>> -> memref<16000xi32, #tpu.memory_space<vmem>>
        %dma_start3A_143 = tpu.memref_slice %arg3[%mul3A_137] : memref<320000xi32, #tpu.memory_space<hbm>> -> memref<16000xi32, #tpu.memory_space<hbm>>
        %dma_start3A_144 = tpu.memref_slice %arg10[%dma_start3A_139] : memref<2x!tpu.dma_semaphore, #tpu.memory_space<semaphore_mem>> -> memref<1x!tpu.dma_semaphore, #tpu.memory_space<semaphore_mem>>
        %dma_start3A_145 = tpu.memref_squeeze %dma_start3A_144 : memref<1x!tpu.dma_semaphore, #tpu.memory_space<semaphore_mem>> -> memref<!tpu.dma_semaphore, #tpu.memory_space<semaphore_mem>>
        %dma_start3A_146 = arith.constant 0 : i32
        %dma_start3A_147 = tpu.memref_slice %arg8[%dma_start3A_138, %dma_start3A_146] : memref<2x16000xi32, #tpu.memory_space<vmem>> -> memref<1x16000xi32, #tpu.memory_space<vmem>>
        %dma_start3A_148 = tpu.memref_squeeze %dma_start3A_147 : memref<1x16000xi32, #tpu.memory_space<vmem>> -> memref<16000xi32, #tpu.memory_space<vmem>>
        %dma_start3A_149 = tpu.memref_slice %arg3[%mul3A_137] : memref<320000xi32, #tpu.memory_space<hbm>> -> memref<16000xi32, #tpu.memory_space<hbm>>
        tpu.enqueue_dma source(%dma_start3A_149 : memref<16000xi32, #tpu.memory_space<hbm>>) target(%dma_start3A_148 : memref<16000xi32, #tpu.memory_space<vmem>>) target_semaphore(%dma_start3A_145 : memref<!tpu.dma_semaphore, #tpu.memory_space<semaphore_mem>>)
        %dma_start3A_150 = arith.constant 1 : i32
        %dma_start3A_151 = arith.constant 1 : i32
        %dma_start3A_152 = arith.constant 0 : i32
        %dma_start3A_153 = tpu.memref_slice %arg9[%dma_start3A_150, %dma_start3A_152] : memref<2x16000xf32, #tpu.memory_space<vmem>> -> memref<1x16000xf32, #tpu.memory_space<vmem>>
        %dma_start3A_154 = tpu.memref_squeeze %dma_start3A_153 : memref<1x16000xf32, #tpu.memory_space<vmem>> -> memref<16000xf32, #tpu.memory_space<vmem>>
        %dma_start3A_155 = tpu.memref_slice %arg4[%mul3A_137] : memref<320000xf32, #tpu.memory_space<hbm>> -> memref<16000xf32, #tpu.memory_space<hbm>>
        %dma_start3A_156 = tpu.memref_slice %arg10[%dma_start3A_151] : memref<2x!tpu.dma_semaphore, #tpu.memory_space<semaphore_mem>> -> memref<1x!tpu.dma_semaphore, #tpu.memory_space<semaphore_mem>>
        %dma_start3A_157 = tpu.memref_squeeze %dma_start3A_156 : memref<1x!tpu.dma_semaphore, #tpu.memory_space<semaphore_mem>> -> memref<!tpu.dma_semaphore, #tpu.memory_space<semaphore_mem>>
        %dma_start3A_158 = arith.constant 0 : i32
        %dma_start3A_159 = tpu.memref_slice %arg9[%dma_start3A_150, %dma_start3A_158] : memref<2x16000xf32, #tpu.memory_space<vmem>> -> memref<1x16000xf32, #tpu.memory_space<vmem>>
        %dma_start3A_160 = tpu.memref_squeeze %dma_start3A_159 : memref<1x16000xf32, #tpu.memory_space<vmem>> -> memref<16000xf32, #tpu.memory_space<vmem>>
        %dma_start3A_161 = tpu.memref_slice %arg4[%mul3A_137] : memref<320000xf32, #tpu.memory_space<hbm>> -> memref<16000xf32, #tpu.memory_space<hbm>>
        tpu.enqueue_dma source(%dma_start3A_161 : memref<16000xf32, #tpu.memory_space<hbm>>) target(%dma_start3A_160 : memref<16000xf32, #tpu.memory_space<vmem>>) target_semaphore(%dma_start3A_157 : memref<!tpu.dma_semaphore, #tpu.memory_space<semaphore_mem>>)
      } else {
      }
      %dma_wait3A_60 = arith.constant 0 : i32
      %dma_wait3A_61 = arith.constant 0 : i32
      %dma_wait3A_62 = arith.constant 0 : i32
      %dma_wait3A_63 = tpu.memref_slice %arg8[%dma_wait3A_60, %dma_wait3A_62] : memref<2x16000xi32, #tpu.memory_space<vmem>> -> memref<1x16000xi32, #tpu.memory_space<vmem>>
      %dma_wait3A_64 = tpu.memref_squeeze %dma_wait3A_63 : memref<1x16000xi32, #tpu.memory_space<vmem>> -> memref<16000xi32, #tpu.memory_space<vmem>>
      %dma_wait3A_65 = arith.constant 0 : i32
      %dma_wait3A_66 = tpu.memref_slice %arg3[%dma_wait3A_65] : memref<320000xi32, #tpu.memory_space<hbm>> -> memref<16000xi32, #tpu.memory_space<hbm>>
      %dma_wait3A_67 = tpu.memref_slice %arg10[%dma_wait3A_61] : memref<2x!tpu.dma_semaphore, #tpu.memory_space<semaphore_mem>> -> memref<1x!tpu.dma_semaphore, #tpu.memory_space<semaphore_mem>>
      %dma_wait3A_68 = tpu.memref_squeeze %dma_wait3A_67 : memref<1x!tpu.dma_semaphore, #tpu.memory_space<semaphore_mem>> -> memref<!tpu.dma_semaphore, #tpu.memory_space<semaphore_mem>>
      %dma_wait3A_69 = arith.constant 0 : i32
      %dma_wait3A_70 = tpu.memref_slice %arg8[%dma_wait3A_60, %dma_wait3A_69] : memref<2x16000xi32, #tpu.memory_space<vmem>> -> memref<1x16000xi32, #tpu.memory_space<vmem>>
      %dma_wait3A_71 = tpu.memref_squeeze %dma_wait3A_70 : memref<1x16000xi32, #tpu.memory_space<vmem>> -> memref<16000xi32, #tpu.memory_space<vmem>>
      %dma_wait3A_72 = arith.constant 0 : i32
      %dma_wait3A_73 = tpu.memref_slice %arg3[%dma_wait3A_72] : memref<320000xi32, #tpu.memory_space<hbm>> -> memref<16000xi32, #tpu.memory_space<hbm>>
      tpu.wait_dma2 semaphore(%dma_wait3A_68 : memref<!tpu.dma_semaphore, #tpu.memory_space<semaphore_mem>>) src(%dma_wait3A_73 : memref<16000xi32, #tpu.memory_space<hbm>>) dst(%dma_wait3A_71 : memref<16000xi32, #tpu.memory_space<vmem>>)
      %dma_wait3A_74 = arith.constant 0 : i32
      %dma_wait3A_75 = arith.constant 0 : i32
      %dma_wait3A_76 = arith.constant 0 : i32
      %dma_wait3A_77 = tpu.memref_slice %arg9[%dma_wait3A_74, %dma_wait3A_76] : memref<2x16000xf32, #tpu.memory_space<vmem>> -> memref<1x16000xf32, #tpu.memory_space<vmem>>
      %dma_wait3A_78 = tpu.memref_squeeze %dma_wait3A_77 : memref<1x16000xf32, #tpu.memory_space<vmem>> -> memref<16000xf32, #tpu.memory_space<vmem>>
      %dma_wait3A_79 = arith.constant 0 : i32
      %dma_wait3A_80 = tpu.memref_slice %arg4[%dma_wait3A_79] : memref<320000xf32, #tpu.memory_space<hbm>> -> memref<16000xf32, #tpu.memory_space<hbm>>
      %dma_wait3A_81 = tpu.memref_slice %arg10[%dma_wait3A_75] : memref<2x!tpu.dma_semaphore, #tpu.memory_space<semaphore_mem>> -> memref<1x!tpu.dma_semaphore, #tpu.memory_space<semaphore_mem>>
      %dma_wait3A_82 = tpu.memref_squeeze %dma_wait3A_81 : memref<1x!tpu.dma_semaphore, #tpu.memory_space<semaphore_mem>> -> memref<!tpu.dma_semaphore, #tpu.memory_space<semaphore_mem>>
      %dma_wait3A_83 = arith.constant 0 : i32
      %dma_wait3A_84 = tpu.memref_slice %arg9[%dma_wait3A_74, %dma_wait3A_83] : memref<2x16000xf32, #tpu.memory_space<vmem>> -> memref<1x16000xf32, #tpu.memory_space<vmem>>
      %dma_wait3A_85 = tpu.memref_squeeze %dma_wait3A_84 : memref<1x16000xf32, #tpu.memory_space<vmem>> -> memref<16000xf32, #tpu.memory_space<vmem>>
      %dma_wait3A_86 = arith.constant 0 : i32
      %dma_wait3A_87 = tpu.memref_slice %arg4[%dma_wait3A_86] : memref<320000xf32, #tpu.memory_space<hbm>> -> memref<16000xf32, #tpu.memory_space<hbm>>
      tpu.wait_dma2 semaphore(%dma_wait3A_82 : memref<!tpu.dma_semaphore, #tpu.memory_space<semaphore_mem>>) src(%dma_wait3A_87 : memref<16000xf32, #tpu.memory_space<hbm>>) dst(%dma_wait3A_85 : memref<16000xf32, #tpu.memory_space<vmem>>)
      %parallel_loop3A_88 = arith.constant 0 : i32
      %parallel_loop3A_89 = arith.constant 16000 : i32
      %parallel_loop3A_90 = arith.constant 16 : i32
      scf.for %parallel_loop3A_134 = %parallel_loop3A_88 to %parallel_loop3A_89 step %parallel_loop3A_90  : i32 {
        %parallel_loop3A_135 = arith.constant 0 : i32
        %parallel_loop3A_136 = arith.index_cast %parallel_loop3A_135 : i32 to index
        %parallel_loop3A_137 = arith.index_cast %parallel_loop3A_134 : i32 to index
        %parallel_loop3A_138 = tpu.vector_load %arg8[%parallel_loop3A_136, %parallel_loop3A_137] {strides = array<i32>} : memref<2x16000xi32, #tpu.memory_space<vmem>>, vector<16xi32>,
        %parallel_loop3A_139 = arith.constant 0 : i32
        %parallel_loop3A_140 = arith.index_cast %parallel_loop3A_139 : i32 to index
        %parallel_loop3A_141 = arith.index_cast %parallel_loop3A_134 : i32 to index
        %parallel_loop3A_142 = tpu.vector_load %arg9[%parallel_loop3A_140, %parallel_loop3A_141] {strides = array<i32>} : memref<2x16000xf32, #tpu.memory_space<vmem>>, vector<16xf32>,
        %parallel_loop3A_143 = arith.constant 65535 : i32
        %parallel_loop3A_144 = vector.broadcast %parallel_loop3A_143 : i32 to vector<16xi32>
        %parallel_loop3A_145 = arith.andi %parallel_loop3A_138, %parallel_loop3A_144 : vector<16xi32>
        %parallel_loop3A_146 = arith.constant 16 : i32
        %parallel_loop3A_147 = vector.broadcast %parallel_loop3A_146 : i32 to vector<16xi32>
        %parallel_loop3A_148 = arith.shrui %parallel_loop3A_138, %parallel_loop3A_147 : vector<16xi32>
        %parallel_loop3A_149 = arith.constant 0 : i32
        %parallel_loop3A_150 = vector.broadcast %parallel_loop3A_149 : i32 to vector<16xi32>
        %parallel_loop3A_151 = tpu.vector_load_idx %arg6[%parallel_loop3A_150, %parallel_loop3A_145] : memref<2x10240xi32, #tpu.memory_space<vmem>>[vector<16xi32>, vector<16xi32>], vector<16xi32>,
        %parallel_loop3A_152 = arith.constant 16 : i32
        %parallel_loop3A_153 = vector.broadcast %parallel_loop3A_152 : i32 to vector<16xi32>
        %parallel_loop3A_154 = arith.shli %parallel_loop3A_151, %parallel_loop3A_153 : vector<16xi32>
        %parallel_loop3A_155 = vector.bitcast %parallel_loop3A_154 : vector<16xi32> to vector<16xf32>
        %parallel_loop3A_156 = arith.andi %parallel_loop3A_151, %broadcast_in_dim3A_41 : vector<16xi32>
        %parallel_loop3A_157 = vector.bitcast %parallel_loop3A_156 : vector<16xi32> to vector<16xf32>
        %parallel_loop3A_158 = arith.mulf %parallel_loop3A_155, %parallel_loop3A_142 : vector<16xf32>
        tpu.vector_store_idx %arg7[%parallel_loop3A_150, %parallel_loop3A_148], %parallel_loop3A_158 {add = true} : memref<4x10240xf32, #tpu.memory_space<vmem>>[vector<16xi32>, vector<16xi32>], vector<16xf32>,
        %parallel_loop3A_159 = arith.constant 2 : i32
        %parallel_loop3A_160 = vector.broadcast %parallel_loop3A_159 : i32 to vector<16xi32>
        %parallel_loop3A_161 = arith.mulf %parallel_loop3A_157, %parallel_loop3A_142 : vector<16xf32>
        tpu.vector_store_idx %arg7[%parallel_loop3A_160, %parallel_loop3A_148], %parallel_loop3A_161 {add = true} : memref<4x10240xf32, #tpu.memory_space<vmem>>[vector<16xi32>, vector<16xi32>], vector<16xf32>,
        %parallel_loop3A_162 = arith.constant 1 : i32
        %parallel_loop3A_163 = vector.broadcast %parallel_loop3A_162 : i32 to vector<16xi32>
        %parallel_loop3A_164 = tpu.vector_load_idx %arg6[%parallel_loop3A_163, %parallel_loop3A_145] : memref<2x10240xi32, #tpu.memory_space<vmem>>[vector<16xi32>, vector<16xi32>], vector<16xi32>,
        %parallel_loop3A_165 = arith.constant 16 : i32
        %parallel_loop3A_166 = vector.broadcast %parallel_loop3A_165 : i32 to vector<16xi32>
        %parallel_loop3A_167 = arith.shli %parallel_loop3A_164, %parallel_loop3A_166 : vector<16xi32>
        %parallel_loop3A_168 = vector.bitcast %parallel_loop3A_167 : vector<16xi32> to vector<16xf32>
        %parallel_loop3A_169 = arith.andi %parallel_loop3A_164, %broadcast_in_dim3A_41 : vector<16xi32>
        %parallel_loop3A_170 = vector.bitcast %parallel_loop3A_169 : vector<16xi32> to vector<16xf32>
        %parallel_loop3A_171 = arith.mulf %parallel_loop3A_168, %parallel_loop3A_142 : vector<16xf32>
        tpu.vector_store_idx %arg7[%parallel_loop3A_163, %parallel_loop3A_148], %parallel_loop3A_171 {add = true} : memref<4x10240xf32, #tpu.memory_space<vmem>>[vector<16xi32>, vector<16xi32>], vector<16xf32>,
        %parallel_loop3A_172 = arith.constant 3 : i32
        %parallel_loop3A_173 = vector.broadcast %parallel_loop3A_172 : i32 to vector<16xi32>
        %parallel_loop3A_174 = arith.mulf %parallel_loop3A_170, %parallel_loop3A_142 : vector<16xf32>
        tpu.vector_store_idx %arg7[%parallel_loop3A_173, %parallel_loop3A_148], %parallel_loop3A_174 {add = true} : memref<4x10240xf32, #tpu.memory_space<vmem>>[vector<16xi32>, vector<16xi32>], vector<16xf32>,
      } {sc.loop_unroll_factor = 8 : i64, sc.parallel_access}
      %mul3A_91 = arith.constant 2 : i32
      %mul3A_92 = arith.muli %scan3A_50, %mul3A_91 : i32
      %add3A_93 = arith.constant 1 : i32
      %add3A_94 = arith.addi %mul3A_92, %add3A_93 : i32
      %add3A_95 = arith.constant 1 : i32
      %add3A_96 = arith.addi %add3A_94, %add3A_95 : i32
      %lt3A_97 = arith.constant 20 : i32
      %lt3A_98 = arith.cmpi slt, %add3A_96, %lt3A_97 : i32
      %convert_element_type3A_99 = arith.extui %lt3A_98 : i1 to i32
      %cond3A_100 = arith.constant 0 : i32
      %cond3A_101 = arith.cmpi ne, %convert_element_type3A_99, %cond3A_100 : i32
      scf.if %cond3A_101 {
        %add3A_134 = arith.constant 1 : i32
        %add3A_135 = arith.addi %add3A_94, %add3A_134 : i32
        %mul3A_136 = arith.constant 16000 : i32
        %mul3A_137 = arith.muli %add3A_135, %mul3A_136 : i32
        %dma_start3A_138 = arith.constant 0 : i32
        %dma_start3A_139 = arith.constant 0 : i32
        %dma_start3A_140 = arith.constant 0 : i32
        %dma_start3A_141 = tpu.memref_slice %arg8[%dma_start3A_138, %dma_start3A_140] : memref<2x16000xi32, #tpu.memory_space<vmem>> -> memref<1x16000xi32, #tpu.memory_space<vmem>>
        %dma_start3A_142 = tpu.memref_squeeze %dma_start3A_141 : memref<1x16000xi32, #tpu.memory_space<vmem>> -> memref<16000xi32, #tpu.memory_space<vmem>>
        %dma_start3A_143 = tpu.memref_slice %arg3[%mul3A_137] : memref<320000xi32, #tpu.memory_space<hbm>> -> memref<16000xi32, #tpu.memory_space<hbm>>
        %dma_start3A_144 = tpu.memref_slice %arg10[%dma_start3A_139] : memref<2x!tpu.dma_semaphore, #tpu.memory_space<semaphore_mem>> -> memref<1x!tpu.dma_semaphore, #tpu.memory_space<semaphore_mem>>
        %dma_start3A_145 = tpu.memref_squeeze %dma_start3A_144 : memref<1x!tpu.dma_semaphore, #tpu.memory_space<semaphore_mem>> -> memref<!tpu.dma_semaphore, #tpu.memory_space<semaphore_mem>>
        %dma_start3A_146 = arith.constant 0 : i32
        %dma_start3A_147 = tpu.memref_slice %arg8[%dma_start3A_138, %dma_start3A_146] : memref<2x16000xi32, #tpu.memory_space<vmem>> -> memref<1x16000xi32, #tpu.memory_space<vmem>>
        %dma_start3A_148 = tpu.memref_squeeze %dma_start3A_147 : memref<1x16000xi32, #tpu.memory_space<vmem>> -> memref<16000xi32, #tpu.memory_space<vmem>>
        %dma_start3A_149 = tpu.memref_slice %arg3[%mul3A_137] : memref<320000xi32, #tpu.memory_space<hbm>> -> memref<16000xi32, #tpu.memory_space<hbm>>
        tpu.enqueue_dma source(%dma_start3A_149 : memref<16000xi32, #tpu.memory_space<hbm>>) target(%dma_start3A_148 : memref<16000xi32, #tpu.memory_space<vmem>>) target_semaphore(%dma_start3A_145 : memref<!tpu.dma_semaphore, #tpu.memory_space<semaphore_mem>>)
        %dma_start3A_150 = arith.constant 0 : i32
        %dma_start3A_151 = arith.constant 0 : i32
        %dma_start3A_152 = arith.constant 0 : i32
        %dma_start3A_153 = tpu.memref_slice %arg9[%dma_start3A_150, %dma_start3A_152] : memref<2x16000xf32, #tpu.memory_space<vmem>> -> memref<1x16000xf32, #tpu.memory_space<vmem>>
        %dma_start3A_154 = tpu.memref_squeeze %dma_start3A_153 : memref<1x16000xf32, #tpu.memory_space<vmem>> -> memref<16000xf32, #tpu.memory_space<vmem>>
        %dma_start3A_155 = tpu.memref_slice %arg4[%mul3A_137] : memref<320000xf32, #tpu.memory_space<hbm>> -> memref<16000xf32, #tpu.memory_space<hbm>>
        %dma_start3A_156 = tpu.memref_slice %arg10[%dma_start3A_151] : memref<2x!tpu.dma_semaphore, #tpu.memory_space<semaphore_mem>> -> memref<1x!tpu.dma_semaphore, #tpu.memory_space<semaphore_mem>>
        %dma_start3A_157 = tpu.memref_squeeze %dma_start3A_156 : memref<1x!tpu.dma_semaphore, #tpu.memory_space<semaphore_mem>> -> memref<!tpu.dma_semaphore, #tpu.memory_space<semaphore_mem>>
        %dma_start3A_158 = arith.constant 0 : i32
        %dma_start3A_159 = tpu.memref_slice %arg9[%dma_start3A_150, %dma_start3A_158] : memref<2x16000xf32, #tpu.memory_space<vmem>> -> memref<1x16000xf32, #tpu.memory_space<vmem>>
        %dma_start3A_160 = tpu.memref_squeeze %dma_start3A_159 : memref<1x16000xf32, #tpu.memory_space<vmem>> -> memref<16000xf32, #tpu.memory_space<vmem>>
        %dma_start3A_161 = tpu.memref_slice %arg4[%mul3A_137] : memref<320000xf32, #tpu.memory_space<hbm>> -> memref<16000xf32, #tpu.memory_space<hbm>>
        tpu.enqueue_dma source(%dma_start3A_161 : memref<16000xf32, #tpu.memory_space<hbm>>) target(%dma_start3A_160 : memref<16000xf32, #tpu.memory_space<vmem>>) target_semaphore(%dma_start3A_157 : memref<!tpu.dma_semaphore, #tpu.memory_space<semaphore_mem>>)
      } else {
      }
      %dma_wait3A_102 = arith.constant 1 : i32
      %dma_wait3A_103 = arith.constant 1 : i32
      %dma_wait3A_104 = arith.constant 0 : i32
      %dma_wait3A_105 = tpu.memref_slice %arg8[%dma_wait3A_102, %dma_wait3A_104] : memref<2x16000xi32, #tpu.memory_space<vmem>> -> memref<1x16000xi32, #tpu.memory_space<vmem>>
      %dma_wait3A_106 = tpu.memref_squeeze %dma_wait3A_105 : memref<1x16000xi32, #tpu.memory_space<vmem>> -> memref<16000xi32, #tpu.memory_space<vmem>>
      %dma_wait3A_107 = arith.constant 0 : i32
      %dma_wait3A_108 = tpu.memref_slice %arg3[%dma_wait3A_107] : memref<320000xi32, #tpu.memory_space<hbm>> -> memref<16000xi32, #tpu.memory_space<hbm>>
      %dma_wait3A_109 = tpu.memref_slice %arg10[%dma_wait3A_103] : memref<2x!tpu.dma_semaphore, #tpu.memory_space<semaphore_mem>> -> memref<1x!tpu.dma_semaphore, #tpu.memory_space<semaphore_mem>>
      %dma_wait3A_110 = tpu.memref_squeeze %dma_wait3A_109 : memref<1x!tpu.dma_semaphore, #tpu.memory_space<semaphore_mem>> -> memref<!tpu.dma_semaphore, #tpu.memory_space<semaphore_mem>>
      %dma_wait3A_111 = arith.constant 0 : i32
      %dma_wait3A_112 = tpu.memref_slice %arg8[%dma_wait3A_102, %dma_wait3A_111] : memref<2x16000xi32, #tpu.memory_space<vmem>> -> memref<1x16000xi32, #tpu.memory_space<vmem>>
      %dma_wait3A_113 = tpu.memref_squeeze %dma_wait3A_112 : memref<1x16000xi32, #tpu.memory_space<vmem>> -> memref<16000xi32, #tpu.memory_space<vmem>>
      %dma_wait3A_114 = arith.constant 0 : i32
      %dma_wait3A_115 = tpu.memref_slice %arg3[%dma_wait3A_114] : memref<320000xi32, #tpu.memory_space<hbm>> -> memref<16000xi32, #tpu.memory_space<hbm>>
      tpu.wait_dma2 semaphore(%dma_wait3A_110 : memref<!tpu.dma_semaphore, #tpu.memory_space<semaphore_mem>>) src(%dma_wait3A_115 : memref<16000xi32, #tpu.memory_space<hbm>>) dst(%dma_wait3A_113 : memref<16000xi32, #tpu.memory_space<vmem>>)
      %dma_wait3A_116 = arith.constant 1 : i32
      %dma_wait3A_117 = arith.constant 1 : i32
      %dma_wait3A_118 = arith.constant 0 : i32
      %dma_wait3A_119 = tpu.memref_slice %arg9[%dma_wait3A_116, %dma_wait3A_118] : memref<2x16000xf32, #tpu.memory_space<vmem>> -> memref<1x16000xf32, #tpu.memory_space<vmem>>
      %dma_wait3A_120 = tpu.memref_squeeze %dma_wait3A_119 : memref<1x16000xf32, #tpu.memory_space<vmem>> -> memref<16000xf32, #tpu.memory_space<vmem>>
      %dma_wait3A_121 = arith.constant 0 : i32
      %dma_wait3A_122 = tpu.memref_slice %arg4[%dma_wait3A_121] : memref<320000xf32, #tpu.memory_space<hbm>> -> memref<16000xf32, #tpu.memory_space<hbm>>
      %dma_wait3A_123 = tpu.memref_slice %arg10[%dma_wait3A_117] : memref<2x!tpu.dma_semaphore, #tpu.memory_space<semaphore_mem>> -> memref<1x!tpu.dma_semaphore, #tpu.memory_space<semaphore_mem>>
      %dma_wait3A_124 = tpu.memref_squeeze %dma_wait3A_123 : memref<1x!tpu.dma_semaphore, #tpu.memory_space<semaphore_mem>> -> memref<!tpu.dma_semaphore, #tpu.memory_space<semaphore_mem>>
      %dma_wait3A_125 = arith.constant 0 : i32
      %dma_wait3A_126 = tpu.memref_slice %arg9[%dma_wait3A_116, %dma_wait3A_125] : memref<2x16000xf32, #tpu.memory_space<vmem>> -> memref<1x16000xf32, #tpu.memory_space<vmem>>
      %dma_wait3A_127 = tpu.memref_squeeze %dma_wait3A_126 : memref<1x16000xf32, #tpu.memory_space<vmem>> -> memref<16000xf32, #tpu.memory_space<vmem>>
      %dma_wait3A_128 = arith.constant 0 : i32
      %dma_wait3A_129 = tpu.memref_slice %arg4[%dma_wait3A_128] : memref<320000xf32, #tpu.memory_space<hbm>> -> memref<16000xf32, #tpu.memory_space<hbm>>
      tpu.wait_dma2 semaphore(%dma_wait3A_124 : memref<!tpu.dma_semaphore, #tpu.memory_space<semaphore_mem>>) src(%dma_wait3A_129 : memref<16000xf32, #tpu.memory_space<hbm>>) dst(%dma_wait3A_127 : memref<16000xf32, #tpu.memory_space<vmem>>)
      %parallel_loop3A_130 = arith.constant 0 : i32
      %parallel_loop3A_131 = arith.constant 16000 : i32
      %parallel_loop3A_132 = arith.constant 16 : i32
      scf.for %parallel_loop3A_134 = %parallel_loop3A_130 to %parallel_loop3A_131 step %parallel_loop3A_132  : i32 {
        %parallel_loop3A_135 = arith.constant 1 : i32
        %parallel_loop3A_136 = arith.index_cast %parallel_loop3A_135 : i32 to index
        %parallel_loop3A_137 = arith.index_cast %parallel_loop3A_134 : i32 to index
        %parallel_loop3A_138 = tpu.vector_load %arg8[%parallel_loop3A_136, %parallel_loop3A_137] {strides = array<i32>} : memref<2x16000xi32, #tpu.memory_space<vmem>>, vector<16xi32>,
        %parallel_loop3A_139 = arith.constant 1 : i32
        %parallel_loop3A_140 = arith.index_cast %parallel_loop3A_139 : i32 to index
        %parallel_loop3A_141 = arith.index_cast %parallel_loop3A_134 : i32 to index
        %parallel_loop3A_142 = tpu.vector_load %arg9[%parallel_loop3A_140, %parallel_loop3A_141] {strides = array<i32>} : memref<2x16000xf32, #tpu.memory_space<vmem>>, vector<16xf32>,
        %parallel_loop3A_143 = arith.constant 65535 : i32
        %parallel_loop3A_144 = vector.broadcast %parallel_loop3A_143 : i32 to vector<16xi32>
        %parallel_loop3A_145 = arith.andi %parallel_loop3A_138, %parallel_loop3A_144 : vector<16xi32>
        %parallel_loop3A_146 = arith.constant 16 : i32
        %parallel_loop3A_147 = vector.broadcast %parallel_loop3A_146 : i32 to vector<16xi32>
        %parallel_loop3A_148 = arith.shrui %parallel_loop3A_138, %parallel_loop3A_147 : vector<16xi32>
        %parallel_loop3A_149 = arith.constant 0 : i32
        %parallel_loop3A_150 = vector.broadcast %parallel_loop3A_149 : i32 to vector<16xi32>
        %parallel_loop3A_151 = tpu.vector_load_idx %arg6[%parallel_loop3A_150, %parallel_loop3A_145] : memref<2x10240xi32, #tpu.memory_space<vmem>>[vector<16xi32>, vector<16xi32>], vector<16xi32>,
        %parallel_loop3A_152 = arith.constant 16 : i32
        %parallel_loop3A_153 = vector.broadcast %parallel_loop3A_152 : i32 to vector<16xi32>
        %parallel_loop3A_154 = arith.shli %parallel_loop3A_151, %parallel_loop3A_153 : vector<16xi32>
        %parallel_loop3A_155 = vector.bitcast %parallel_loop3A_154 : vector<16xi32> to vector<16xf32>
        %parallel_loop3A_156 = arith.andi %parallel_loop3A_151, %broadcast_in_dim3A_41 : vector<16xi32>
        %parallel_loop3A_157 = vector.bitcast %parallel_loop3A_156 : vector<16xi32> to vector<16xf32>
        %parallel_loop3A_158 = arith.mulf %parallel_loop3A_155, %parallel_loop3A_142 : vector<16xf32>
        tpu.vector_store_idx %arg7[%parallel_loop3A_150, %parallel_loop3A_148], %parallel_loop3A_158 {add = true} : memref<4x10240xf32, #tpu.memory_space<vmem>>[vector<16xi32>, vector<16xi32>], vector<16xf32>,
        %parallel_loop3A_159 = arith.constant 2 : i32
        %parallel_loop3A_160 = vector.broadcast %parallel_loop3A_159 : i32 to vector<16xi32>
        %parallel_loop3A_161 = arith.mulf %parallel_loop3A_157, %parallel_loop3A_142 : vector<16xf32>
        tpu.vector_store_idx %arg7[%parallel_loop3A_160, %parallel_loop3A_148], %parallel_loop3A_161 {add = true} : memref<4x10240xf32, #tpu.memory_space<vmem>>[vector<16xi32>, vector<16xi32>], vector<16xf32>,
        %parallel_loop3A_162 = arith.constant 1 : i32
        %parallel_loop3A_163 = vector.broadcast %parallel_loop3A_162 : i32 to vector<16xi32>
        %parallel_loop3A_164 = tpu.vector_load_idx %arg6[%parallel_loop3A_163, %parallel_loop3A_145] : memref<2x10240xi32, #tpu.memory_space<vmem>>[vector<16xi32>, vector<16xi32>], vector<16xi32>,
        %parallel_loop3A_165 = arith.constant 16 : i32
        %parallel_loop3A_166 = vector.broadcast %parallel_loop3A_165 : i32 to vector<16xi32>
        %parallel_loop3A_167 = arith.shli %parallel_loop3A_164, %parallel_loop3A_166 : vector<16xi32>
        %parallel_loop3A_168 = vector.bitcast %parallel_loop3A_167 : vector<16xi32> to vector<16xf32>
        %parallel_loop3A_169 = arith.andi %parallel_loop3A_164, %broadcast_in_dim3A_41 : vector<16xi32>
        %parallel_loop3A_170 = vector.bitcast %parallel_loop3A_169 : vector<16xi32> to vector<16xf32>
        %parallel_loop3A_171 = arith.mulf %parallel_loop3A_168, %parallel_loop3A_142 : vector<16xf32>
        tpu.vector_store_idx %arg7[%parallel_loop3A_163, %parallel_loop3A_148], %parallel_loop3A_171 {add = true} : memref<4x10240xf32, #tpu.memory_space<vmem>>[vector<16xi32>, vector<16xi32>], vector<16xf32>,
        %parallel_loop3A_172 = arith.constant 3 : i32
        %parallel_loop3A_173 = vector.broadcast %parallel_loop3A_172 : i32 to vector<16xi32>
        %parallel_loop3A_174 = arith.mulf %parallel_loop3A_170, %parallel_loop3A_142 : vector<16xf32>
        tpu.vector_store_idx %arg7[%parallel_loop3A_173, %parallel_loop3A_148], %parallel_loop3A_174 {add = true} : memref<4x10240xf32, #tpu.memory_space<vmem>>[vector<16xi32>, vector<16xi32>], vector<16xf32>,
      } {sc.loop_unroll_factor = 8 : i64, sc.parallel_access}
      %scan3A_133 = arith.constant 0 : i32
      scf.yield %scan3A_133 : i32
    }
    %scan3A_47 = arith.constant 10 : i32
    "tpu.region"() ({
      %run_scoped3A = tpu.sem_alloc : memref<!tpu.dma_semaphore, #tpu.memory_space<semaphore_mem>>
      %dma_start3A_50 = arith.constant 0 : i32
      %dma_start3A_51 = arith.constant 0 : i32
      %dma_start3A_52 = tpu.memref_slice %arg7[%dma_start3A_50, %dma_start3A_51] : memref<4x10240xf32, #tpu.memory_space<vmem>> -> memref<2x10240xf32, #tpu.memory_space<vmem>>
      %dma_start3A_53 = arith.constant 0 : i32
      %dma_start3A_54 = tpu.memref_slice %arg5[%mul3A_2, %dma_start3A_53] : memref<128x10240xf32, #tpu.memory_space<hbm>> -> memref<2x10240xf32, #tpu.memory_space<hbm>>
      %dma_start3A_55 = arith.constant 0 : i32
      %dma_start3A_56 = tpu.memref_slice %arg5[%mul3A_2, %dma_start3A_55] : memref<128x10240xf32, #tpu.memory_space<hbm>> -> memref<2x10240xf32, #tpu.memory_space<hbm>>
      %dma_start3A_57 = arith.constant 0 : i32
      %dma_start3A_58 = arith.constant 0 : i32
      %dma_start3A_59 = tpu.memref_slice %arg7[%dma_start3A_57, %dma_start3A_58] : memref<4x10240xf32, #tpu.memory_space<vmem>> -> memref<2x10240xf32, #tpu.memory_space<vmem>>
      tpu.enqueue_dma source(%dma_start3A_59 : memref<2x10240xf32, #tpu.memory_space<vmem>>) target(%dma_start3A_56 : memref<2x10240xf32, #tpu.memory_space<hbm>>) target_semaphore(%run_scoped3A : memref<!tpu.dma_semaphore, #tpu.memory_space<semaphore_mem>>)
      %dma_wait3A_60 = arith.constant 0 : i32
      %dma_wait3A_61 = arith.constant 0 : i32
      %dma_wait3A_62 = tpu.memref_slice %arg7[%dma_wait3A_60, %dma_wait3A_61] : memref<4x10240xf32, #tpu.memory_space<vmem>> -> memref<2x10240xf32, #tpu.memory_space<vmem>>
      %dma_wait3A_63 = arith.constant 0 : i32
      %dma_wait3A_64 = tpu.memref_slice %arg5[%mul3A_2, %dma_wait3A_63] : memref<128x10240xf32, #tpu.memory_space<hbm>> -> memref<2x10240xf32, #tpu.memory_space<hbm>>
      %dma_wait3A_65 = arith.constant 0 : i32
      %dma_wait3A_66 = tpu.memref_slice %arg5[%mul3A_2, %dma_wait3A_65] : memref<128x10240xf32, #tpu.memory_space<hbm>> -> memref<2x10240xf32, #tpu.memory_space<hbm>>
      %dma_wait3A_67 = arith.constant 0 : i32
      %dma_wait3A_68 = arith.constant 0 : i32
      %dma_wait3A_69 = tpu.memref_slice %arg7[%dma_wait3A_67, %dma_wait3A_68] : memref<4x10240xf32, #tpu.memory_space<vmem>> -> memref<2x10240xf32, #tpu.memory_space<vmem>>
      tpu.wait_dma2 semaphore(%run_scoped3A : memref<!tpu.dma_semaphore, #tpu.memory_space<semaphore_mem>>) src(%dma_wait3A_69 : memref<2x10240xf32, #tpu.memory_space<vmem>>) dst(%dma_wait3A_66 : memref<2x10240xf32, #tpu.memory_space<hbm>>)
      tpu.yield
    }) : () -> ()
    %add3A_48 = arith.constant 64 : i32
    %add3A_49 = arith.addi %add3A_48, %mul3A_2 : i32
    "tpu.region"() ({
      %run_scoped3A = tpu.sem_alloc : memref<!tpu.dma_semaphore, #tpu.memory_space<semaphore_mem>>
      %dma_start3A_50 = arith.constant 2 : i32
      %dma_start3A_51 = arith.constant 0 : i32
      %dma_start3A_52 = tpu.memref_slice %arg7[%dma_start3A_50, %dma_start3A_51] : memref<4x10240xf32, #tpu.memory_space<vmem>> -> memref<2x10240xf32, #tpu.memory_space<vmem>>
      %dma_start3A_53 = arith.constant 0 : i32
      %dma_start3A_54 = tpu.memref_slice %arg5[%add3A_49, %dma_start3A_53] : memref<128x10240xf32, #tpu.memory_space<hbm>> -> memref<2x10240xf32, #tpu.memory_space<hbm>>
      %dma_start3A_55 = arith.constant 0 : i32
      %dma_start3A_56 = tpu.memref_slice %arg5[%add3A_49, %dma_start3A_55] : memref<128x10240xf32, #tpu.memory_space<hbm>> -> memref<2x10240xf32, #tpu.memory_space<hbm>>
      %dma_start3A_57 = arith.constant 2 : i32
      %dma_start3A_58 = arith.constant 0 : i32
      %dma_start3A_59 = tpu.memref_slice %arg7[%dma_start3A_57, %dma_start3A_58] : memref<4x10240xf32, #tpu.memory_space<vmem>> -> memref<2x10240xf32, #tpu.memory_space<vmem>>
      tpu.enqueue_dma source(%dma_start3A_59 : memref<2x10240xf32, #tpu.memory_space<vmem>>) target(%dma_start3A_56 : memref<2x10240xf32, #tpu.memory_space<hbm>>) target_semaphore(%run_scoped3A : memref<!tpu.dma_semaphore, #tpu.memory_space<semaphore_mem>>)
      %dma_wait3A_60 = arith.constant 2 : i32
      %dma_wait3A_61 = arith.constant 0 : i32
      %dma_wait3A_62 = tpu.memref_slice %arg7[%dma_wait3A_60, %dma_wait3A_61] : memref<4x10240xf32, #tpu.memory_space<vmem>> -> memref<2x10240xf32, #tpu.memory_space<vmem>>
      %dma_wait3A_63 = arith.constant 0 : i32
      %dma_wait3A_64 = tpu.memref_slice %arg5[%add3A_49, %dma_wait3A_63] : memref<128x10240xf32, #tpu.memory_space<hbm>> -> memref<2x10240xf32, #tpu.memory_space<hbm>>
      %dma_wait3A_65 = arith.constant 0 : i32
      %dma_wait3A_66 = tpu.memref_slice %arg5[%add3A_49, %dma_wait3A_65] : memref<128x10240xf32, #tpu.memory_space<hbm>> -> memref<2x10240xf32, #tpu.memory_space<hbm>>
      %dma_wait3A_67 = arith.constant 2 : i32
      %dma_wait3A_68 = arith.constant 0 : i32
      %dma_wait3A_69 = tpu.memref_slice %arg7[%dma_wait3A_67, %dma_wait3A_68] : memref<4x10240xf32, #tpu.memory_space<vmem>> -> memref<2x10240xf32, #tpu.memory_space<vmem>>
      tpu.wait_dma2 semaphore(%run_scoped3A : memref<!tpu.dma_semaphore, #tpu.memory_space<semaphore_mem>>) src(%dma_wait3A_69 : memref<2x10240xf32, #tpu.memory_space<vmem>>) dst(%dma_wait3A_66 : memref<2x10240xf32, #tpu.memory_space<hbm>>)
      tpu.yield
    }) : () -> ()
    return
  }
}

module attributes {stable_mosaic.version = 14 : i64} {
  func.func @_stage_a_body(%arg0: i32, %arg1: memref<1024x128xf32, #tpu.memory_space<vmem>>, %arg2: memref<128x128xf32, #tpu.memory_space<vmem>>, %arg3: memref<64x1024xi32, #tpu.memory_space<vmem>>) attributes {dimension_semantics = [#tpu.dimension_semantics<arbitrary>], iteration_bounds = array<i64: 10>, scalar_prefetch = 0 : i64, scratch_operands = 0 : i64, tpu.core_type = #tpu.core_type<tc>, window_params = [{transform_indices = @transform_0, window_bounds = array<i64: 1024, 128>}, {pipeline_mode = #tpu.pipeline_mode<synchronous>, transform_indices = @transform_1, window_bounds = array<i64: 128, 128>}, {transform_indices = @transform_2, window_bounds = array<i64: 64, 1024>}]} {
    %get3A = arith.constant 0 : index
    %get3A_0 = arith.constant 0 : index
    %get3A_1 = vector.load %arg2[%get3A, %get3A_0] : memref<128x128xf32, #tpu.memory_space<vmem>>, vector<128x128xf32>
    %get3A_2 = arith.constant 0 : index
    %get3A_3 = arith.constant 0 : index
    %get3A_4 = vector.load %arg1[%get3A_2, %get3A_3] : memref<1024x128xf32, #tpu.memory_space<vmem>>, vector<1024x128xf32>
    %dot_general3A = arith.constant dense<0.000000e+00> : vector<128x1024xf32>
    %dot_general3A_5 = tpu.matmul %get3A_1, %get3A_4, %dot_general3A {dimension_numbers = #tpu.dot_dimension_numbers<[0], [1], [1], [0], [0, 1, 1, 0], [], []>, transpose_lhs_hint = false} : vector<128x128xf32>, vector<1024x128xf32>, vector<128x1024xf32> -> vector<128x1024xf32>
    %convert_element_type3A = arith.truncf %dot_general3A_5 : vector<128x1024xf32> to vector<128x1024xbf16>
    %slice3A = vector.extract_strided_slice %convert_element_type3A {offsets = [0, 0], sizes = [64, 1024], strides = [1, 1]} : vector<128x1024xbf16> to vector<64x1024xbf16>
    %bitcast_convert_type3A = tpu.bitcast %slice3A : vector<64x1024xbf16> -> vector<64x1024xi16>
    %convert_element_type3A_6 = arith.extui %bitcast_convert_type3A : vector<64x1024xi16> to vector<64x1024xi32>
    %slice3A_7 = vector.extract_strided_slice %convert_element_type3A {offsets = [64, 0], sizes = [64, 1024], strides = [1, 1]} : vector<128x1024xbf16> to vector<64x1024xbf16>
    %bitcast_convert_type3A_8 = tpu.bitcast %slice3A_7 : vector<64x1024xbf16> -> vector<64x1024xi16>
    %convert_element_type3A_9 = arith.extui %bitcast_convert_type3A_8 : vector<64x1024xi16> to vector<64x1024xi32>
    %shift_left3A = arith.constant 16 : i32
    %shift_left3A_10 = vector.broadcast %shift_left3A : i32 to vector<64x1024xi32>
    %shift_left3A_11 = arith.shli %convert_element_type3A_9, %shift_left3A_10 : vector<64x1024xi32>
    %or3A = arith.ori %shift_left3A_11, %convert_element_type3A_6 : vector<64x1024xi32>
    %bitcast_convert_type3A_12 = tpu.bitcast %or3A : vector<64x1024xi32> -> vector<64x1024xi32>
    %swap3A = arith.constant 0 : index
    %swap3A_13 = arith.constant 0 : index
    %swap3A_14 = vector.load %arg3[%swap3A, %swap3A_13] : memref<64x1024xi32, #tpu.memory_space<vmem>>, vector<64x1024xi32>
    tpu.vector_store %arg3[%swap3A, %swap3A_13], %bitcast_convert_type3A_12 {strides = array<i32>} : memref<64x1024xi32, #tpu.memory_space<vmem>>, vector<64x1024xi32>,
    return
  }
  func.func @transform_0(%arg0: i32) -> (i32, i32) {
    %c0_i32 = arith.constant 0 : i32
    %c0_i32_0 = arith.constant 0 : i32
    return %arg0, %c0_i32 : i32, i32
  }
  func.func @transform_1(%arg0: i32) -> (i32, i32) {
    %c0_i32 = arith.constant 0 : i32
    %c0_i32_0 = arith.constant 0 : i32
    %c0_i32_1 = arith.constant 0 : i32
    return %c0_i32, %c0_i32_0 : i32, i32
  }
  func.func @transform_2(%arg0: i32) -> (i32, i32) {
    %c0_i32 = arith.constant 0 : i32
    %c0_i32_0 = arith.constant 0 : i32
    return %c0_i32, %arg0 : i32, i32
  }
}

module attributes {stable_mosaic.version = 14 : i64} {
  func.func @_stage_b_body(%arg0: i32, %arg1: memref<128x1024xf32, #tpu.memory_space<vmem>>, %arg2: memref<128x1xf32, #tpu.memory_space<vmem>>, %arg3: memref<128x64xf32, #tpu.memory_space<vmem>>, %arg4: memref<32x1024xi32, #tpu.memory_space<vmem>>) attributes {dimension_semantics = [#tpu.dimension_semantics<arbitrary>], iteration_bounds = array<i64: 10>, scalar_prefetch = 0 : i64, scratch_operands = 0 : i64, tpu.core_type = #tpu.core_type<tc>, window_params = [{transform_indices = @transform_0, window_bounds = array<i64: 128, 1024>}, {pipeline_mode = #tpu.pipeline_mode<synchronous>, transform_indices = @transform_1, window_bounds = array<i64: 128, 1>}, {pipeline_mode = #tpu.pipeline_mode<synchronous>, transform_indices = @transform_2, window_bounds = array<i64: 128, 64>}, {transform_indices = @transform_3, window_bounds = array<i64: 32, 1024>}]} {
    %get3A = arith.constant 0 : index
    %get3A_0 = arith.constant 0 : index
    %get3A_1 = vector.load %arg1[%get3A, %get3A_0] : memref<128x1024xf32, #tpu.memory_space<vmem>>, vector<128x1024xf32>
    %get3A_2 = arith.constant 0 : index
    %get3A_3 = arith.constant 0 : index
    %get3A_4 = vector.load %arg2[%get3A_2, %get3A_3] : memref<128x1xf32, #tpu.memory_space<vmem>>, vector<128x1xf32>
    %add3A = vector.broadcast %get3A_4 : vector<128x1xf32> to vector<128x1024xf32>
    %add3A_5 = arith.addf %get3A_1, %add3A : vector<128x1024xf32>
    %max3A = arith.constant 0.000000e+00 : f32
    %max3A_6 = vector.broadcast %max3A : f32 to vector<128x1024xf32>
    %max3A_7 = arith.maximumf %add3A_5, %max3A_6 : vector<128x1024xf32>
    %get3A_8 = arith.constant 0 : index
    %get3A_9 = arith.constant 0 : index
    %get3A_10 = vector.load %arg3[%get3A_8, %get3A_9] : memref<128x64xf32, #tpu.memory_space<vmem>>, vector<128x64xf32>
    %dot_general3A = arith.constant dense<0.000000e+00> : vector<64x1024xf32>
    %dot_general3A_11 = tpu.matmul %get3A_10, %max3A_7, %dot_general3A {dimension_numbers = #tpu.dot_dimension_numbers<[0], [0], [1], [1], [0, 1, 1, 1], [], []>, transpose_lhs_hint = false} : vector<128x64xf32>, vector<128x1024xf32>, vector<64x1024xf32> -> vector<64x1024xf32>
    %convert_element_type3A = arith.truncf %dot_general3A_11 : vector<64x1024xf32> to vector<64x1024xbf16>
    %slice3A = vector.extract_strided_slice %convert_element_type3A {offsets = [0, 0], sizes = [32, 1024], strides = [1, 1]} : vector<64x1024xbf16> to vector<32x1024xbf16>
    %bitcast_convert_type3A = tpu.bitcast %slice3A : vector<32x1024xbf16> -> vector<32x1024xi16>
    %convert_element_type3A_12 = arith.extui %bitcast_convert_type3A : vector<32x1024xi16> to vector<32x1024xi32>
    %slice3A_13 = vector.extract_strided_slice %convert_element_type3A {offsets = [32, 0], sizes = [32, 1024], strides = [1, 1]} : vector<64x1024xbf16> to vector<32x1024xbf16>
    %bitcast_convert_type3A_14 = tpu.bitcast %slice3A_13 : vector<32x1024xbf16> -> vector<32x1024xi16>
    %convert_element_type3A_15 = arith.extui %bitcast_convert_type3A_14 : vector<32x1024xi16> to vector<32x1024xi32>
    %shift_left3A = arith.constant 16 : i32
    %shift_left3A_16 = vector.broadcast %shift_left3A : i32 to vector<32x1024xi32>
    %shift_left3A_17 = arith.shli %convert_element_type3A_15, %shift_left3A_16 : vector<32x1024xi32>
    %or3A = arith.ori %shift_left3A_17, %convert_element_type3A_12 : vector<32x1024xi32>
    %bitcast_convert_type3A_18 = tpu.bitcast %or3A : vector<32x1024xi32> -> vector<32x1024xi32>
    %swap3A = arith.constant 0 : index
    %swap3A_19 = arith.constant 0 : index
    %swap3A_20 = vector.load %arg4[%swap3A, %swap3A_19] : memref<32x1024xi32, #tpu.memory_space<vmem>>, vector<32x1024xi32>
    tpu.vector_store %arg4[%swap3A, %swap3A_19], %bitcast_convert_type3A_18 {strides = array<i32>} : memref<32x1024xi32, #tpu.memory_space<vmem>>, vector<32x1024xi32>,
    return
  }
  func.func @transform_0(%arg0: i32) -> (i32, i32) {
    %c0_i32 = arith.constant 0 : i32
    %c0_i32_0 = arith.constant 0 : i32
    return %c0_i32, %arg0 : i32, i32
  }
  func.func @transform_1(%arg0: i32) -> (i32, i32) {
    %c0_i32 = arith.constant 0 : i32
    %c0_i32_0 = arith.constant 0 : i32
    %c0_i32_1 = arith.constant 0 : i32
    return %c0_i32, %c0_i32_0 : i32, i32
  }
  func.func @transform_2(%arg0: i32) -> (i32, i32) {
    %c0_i32 = arith.constant 0 : i32
    %c0_i32_0 = arith.constant 0 : i32
    %c0_i32_1 = arith.constant 0 : i32
    return %c0_i32, %c0_i32_0 : i32, i32
  }
  func.func @transform_3(%arg0: i32) -> (i32, i32) {
    %c0_i32 = arith.constant 0 : i32
    %c0_i32_0 = arith.constant 0 : i32
    return %c0_i32, %arg0 : i32, i32
  }
}

module attributes {stable_mosaic.version = 14 : i64} {
  func.func @_stage_c_body(%arg0: i32, %arg1: memref<64x1024xf32, #tpu.memory_space<vmem>>, %arg2: memref<64x1xf32, #tpu.memory_space<vmem>>, %arg3: memref<1024x64xf32, #tpu.memory_space<vmem>>) attributes {dimension_semantics = [#tpu.dimension_semantics<arbitrary>], iteration_bounds = array<i64: 10>, scalar_prefetch = 0 : i64, scratch_operands = 0 : i64, tpu.core_type = #tpu.core_type<tc>, window_params = [{transform_indices = @transform_0, window_bounds = array<i64: 64, 1024>}, {pipeline_mode = #tpu.pipeline_mode<synchronous>, transform_indices = @transform_1, window_bounds = array<i64: 64, 1>}, {transform_indices = @transform_2, window_bounds = array<i64: 1024, 64>}]} {
    %get3A = arith.constant 0 : index
    %get3A_0 = arith.constant 0 : index
    %get3A_1 = vector.load %arg1[%get3A, %get3A_0] : memref<64x1024xf32, #tpu.memory_space<vmem>>, vector<64x1024xf32>
    %get3A_2 = arith.constant 0 : index
    %get3A_3 = arith.constant 0 : index
    %get3A_4 = vector.load %arg2[%get3A_2, %get3A_3] : memref<64x1xf32, #tpu.memory_space<vmem>>, vector<64x1xf32>
    %add3A = vector.broadcast %get3A_4 : vector<64x1xf32> to vector<64x1024xf32>
    %add3A_5 = arith.addf %get3A_1, %add3A : vector<64x1024xf32>
    %reduce_max3A = arith.constant dense<0xFF800000> : vector<1024xf32>
    %reduce_max3A_6 = vector.multi_reduction <maximumf>, %add3A_5, %reduce_max3A [0] : vector<64x1024xf32> to vector<1024xf32>
    %broadcast_in_dim3A = vector.shape_cast %reduce_max3A_6 : vector<1024xf32> to vector<1x1024xf32>
    %sub3A = vector.broadcast %broadcast_in_dim3A : vector<1x1024xf32> to vector<64x1024xf32>
    %sub3A_7 = arith.subf %add3A_5, %sub3A : vector<64x1024xf32>
    %exp3A = math.exp %sub3A_7 : vector<64x1024xf32>
    %reduce_sum3A = arith.constant dense<0.000000e+00> : vector<1024xf32>
    %reduce_sum3A_8 = vector.multi_reduction <add>, %exp3A, %reduce_sum3A [0] : vector<64x1024xf32> to vector<1024xf32>
    %broadcast_in_dim3A_9 = vector.shape_cast %reduce_sum3A_8 : vector<1024xf32> to vector<1x1024xf32>
    %log3A = math.log %broadcast_in_dim3A_9 : vector<1x1024xf32>
    %add3A_10 = arith.addf %log3A, %broadcast_in_dim3A : vector<1x1024xf32>
    %sub3A_11 = vector.broadcast %add3A_10 : vector<1x1024xf32> to vector<64x1024xf32>
    %sub3A_12 = arith.subf %add3A_5, %sub3A_11 : vector<64x1024xf32>
    %transpose3A = tpu.transpose %sub3A_12, [1, 0] : vector<64x1024xf32> -> vector<1024x64xf32>
    %swap3A = arith.constant 0 : index
    %swap3A_13 = arith.constant 0 : index
    %swap3A_14 = vector.load %arg3[%swap3A, %swap3A_13] : memref<1024x64xf32, #tpu.memory_space<vmem>>, vector<1024x64xf32>
    tpu.vector_store %arg3[%swap3A, %swap3A_13], %transpose3A {strides = array<i32>} : memref<1024x64xf32, #tpu.memory_space<vmem>>, vector<1024x64xf32>,
    return
  }
  func.func @transform_0(%arg0: i32) -> (i32, i32) {
    %c0_i32 = arith.constant 0 : i32
    %c0_i32_0 = arith.constant 0 : i32
    return %c0_i32, %arg0 : i32, i32
  }
  func.func @transform_1(%arg0: i32) -> (i32, i32) {
    %c0_i32 = arith.constant 0 : i32
    %c0_i32_0 = arith.constant 0 : i32
    %c0_i32_1 = arith.constant 0 : i32
    return %c0_i32, %c0_i32_0 : i32, i32
  }
  func.func @transform_2(%arg0: i32) -> (i32, i32) {
    %c0_i32 = arith.constant 0 : i32
    %c0_i32_0 = arith.constant 0 : i32
    return %arg0, %c0_i32 : i32, i32
  }
}

</mosaic_0001>

<sc_bundles>
// kernel: kernel.10.cloned.1.call-start
scs
__scs_entry_jumppad:
0x0: {  	(pc) =	sbr.rel $0x88, $3  }
0x1: {  	(tag) =	ssettag $0x0;
	lr =	simm.s32 $0x1  }
0x2: {  	[smem:$0x3F9A] =	sst lr;
	_ =	strace $0xD0000000  }
0x3: {  	_ = 	snop  }
0x4: {  	_ = 	snop  }
0x5: {  	_ = 	snop  }
0x6: {  	_ = 	snop  }
0x7: {  	_ = 	snop  }
__scs_overlays_trampoline_lowered:
0x8: {  	[smem:$0x3FA9] =	sst s0  }
0x9: {  	[smem:$0x3FAA] =	sst s1  }
0xa: {  	[smem:$0x3FAB] =	sst s2  }
0xb: {  	[smem:$0x3FAC] =	sst s3  }
0xc: {  	[smem:$0x3FAD] =	sst s4  }
0xd: {  	[smem:$0x3FAE] =	sst s5  }
0xe: {  	[smem:$0x3FAF] =	sst s6  }
0xf: {  	[smem:$0x3FB0] =	sst s7  }
0x10: {  	[smem:$0x3FB1] =	sst s8  }
0x11: {  	[smem:$0x3FB2] =	sst s9;
	s0 =	simm.s32 @!p0 $0x0  }
0x12: {  	s1 =	sld [smem:$0x3F98];
	s0 =	simm.s32 @p0 $0x1  }
0x13: {  	[smem:$0x3FB3] =	sst s0;
	s0 =	simm.s32 @!p1 $0x0  }
0x14: {  	s2 =	sld [smem:$0x3F97];
	s0 =	simm.s32 @p1 $0x1  }
0x15: {  	[smem:$0x3FB4] =	sst s0;
	s0 =	simm.s32 @!p2 $0x0  }
0x16: {  	s3 =	sld [smem:$0x3FDB];
	s0 =	simm.s32 @p2 $0x1  }
0x17: {  	s4 =	simm.s32 $0x1BF5;
	[smem:$0x3FB6] =	sst s0  }
0x18: {  	s0 =	sld [smem:$0x3F99];
	_ =	swait.ge [sflag:s4], $0x0  }
0x19: {  	s7 =	sld [smem:$0x3F9A]  }
0x1a: {  	s8 =	sadd.s32 $0xFFFFE003, lr  }
0x1b: {  	s9 =	sadd.s32 $0xFFFFFEF7, lr;
	s5 =	simm.s32 $0xFFFFFFFF;
	p2 =	slt.u32 s8, $0xFFFFF086  }
0x1c: {  	p1 =	slt.u32 s9, $0xF7A;
	s5 =	simm.s32 @!p2 $0x0  }
0x1d: {  	s5 =	simm.s32 @p1 $0x1;
	p0 =	seq.s32 s7, s2  }
0x1e: {  	s7 =	smul.u32 @!p0 $0xF7A, s2;
	p2 =	seq.s32 @!p0 s5, $0x0  }
0x1f: {  	s9 =	smul.u32 $0xF7A, s1;
	s8 =	simm.s32 @!p0 $0x1BF5;
	p2 =	por !p2, p0  }
0x20: {  	[sflag:s8] =	ssyncset.s32 @!p0 $0xFFFFF086;
	s6 =	sadd.s32 @!p0 s3, s7;
	s7 =	simm.s32 @!p0 $0x108  }
0x21: {  	s3 =	sadd.s32 s3, s9;
	s6 =	sadd.s32 @!p0 $0x88, s6;
	s7 =	simm.s32 @p2 $0x1082  }
0x22: {  	[simem:s7], [sflag:s8] =	dma.local @!p0 [hbm:s6], $0xF7A  }
0x23: {  	s9 =	sor.u32 $0xD0000000, s2;
	s6 =	simm.s32 $0x108;
	_ =	swait.ge @!p0 [sflag:s8], $0x0  }
0x24: {  	s3 =	sadd.s32 $0x88, s3;
	s6 =	simm.s32 @!p1 $0x1082;
	[sflag:s4] =	ssyncset.s32 $0xFFFFF086  }
0x25: {  	[simem:s6], [sflag:s4] =	dma.local [hbm:s3], $0xF7A  }
0x26: {  	[smem:$0x3F9A] =	sst s1;
	(tag) =	ssettag s2;
	_ =	strace s9  }
0x27: {  	s1 =	sld [smem:$0x3FAA]  }
0x28: {  	s2 =	sld [smem:$0x3FAB]  }
0x29: {  	s4 =	sld [smem:$0x3FAD]  }
0x2a: {  	p0 =	seq.s32 s5, $0x0;
	s5 =	sld [smem:$0x3FAE]  }
0x2b: {  	s6 =	sld [smem:$0x3FAF]  }
0x2c: {  	s7 =	sld [smem:$0x3FB0]  }
0x2d: {  	s3 =	simm.s32 $0x108;
	s8 =	sld [smem:$0x3FB1]  }
0x2e: {  	s3 =	simm.s32 @!p0 $0x1082;
	s9 =	sld [smem:$0x3FB2]  }
0x2f: {  	lr =	sadd.s32 s0, s3;
	s0 =	sld [smem:$0x3FA9]  }
0x30: {  	s3 =	sld [smem:$0x3FAC]  }
0x31: {  	[smem:$0x3FB5] =	sst s10  }
0x32: {  	s10 =	sld [smem:$0x3FB3];
	_ =	sdelay $0x3  }
0x33: {  	p0 =	seq.s32 s10, $0x1;
	s10 =	sld [smem:$0x3FB5];
	_ =	sdelay $0x3  }
0x34: {  	[smem:$0x3FB5] =	sst s10  }
0x35: {  	s10 =	sld [smem:$0x3FB4];
	_ =	sdelay $0x3  }
0x36: {  	p1 =	seq.s32 s10, $0x1;
	s10 =	sld [smem:$0x3FB5];
	_ =	sdelay $0x3  }
0x37: {  	[smem:$0x3FB5] =	sst s10  }
0x38: {  	s10 =	sld [smem:$0x3FB6]  }
0x39: {  	_ = 	snop;
	(pc) =	sbr.ind lr, $3  }
0x3a: {  	_ = 	snop  }
0x3b: {  	_ = 	snop  }
0x3c: {  	p2 =	seq.s32 s10, $0x1;
	s10 =	sld [smem:$0x3FB5]  }
0x3d: {  	_ =	shalt  }
0x3e: {  	_ =	shalt  }
0x3f: {  	_ =	shalt  }
0x40: {  	_ =	shalt  }
0x41: {  	_ =	shalt  }
0x42: {  	_ =	shalt  }
0x43: {  	_ =	shalt  }
0x44: {  	_ =	shalt  }
0x45: {  	_ =	shalt  }
0x46: {  	_ =	shalt  }
0x47: {  	_ =	shalt  }
0x48: {  	_ =	shalt  }
0x49: {  	_ =	shalt  }
0x4a: {  	_ =	shalt  }
0x4b: {  	_ =	shalt  }
0x4c: {  	_ =	shalt  }
0x4d: {  	_ =	shalt  }
0x4e: {  	_ =	shalt  }
0x4f: {  	_ =	shalt  }
0x50: {  	_ =	shalt  }
0x51: {  	_ =	shalt  }
0x52: {  	_ =	shalt  }
0x53: {  	_ =	shalt  }
0x54: {  	_ =	shalt  }
0x55: {  	_ =	shalt  }
0x56: {  	_ =	shalt  }
0x57: {  	_ =	shalt  }
0x58: {  	_ =	shalt  }
0x59: {  	_ =	shalt  }
0x5a: {  	_ =	shalt  }
0x5b: {  	_ =	shalt  }
0x5c: {  	_ =	shalt  }
0x5d: {  	_ =	shalt  }
0x5e: {  	_ =	shalt  }
0x5f: {  	_ =	shalt  }
0x60: {  	_ =	shalt  }
0x61: {  	_ =	shalt  }
0x62: {  	_ =	shalt  }
0x63: {  	_ =	shalt  }
0x64: {  	_ =	shalt  }
0x65: {  	_ =	shalt  }
0x66: {  	_ =	shalt  }
0x67: {  	_ =	shalt  }
0x68: {  	_ =	shalt  }
0x69: {  	_ =	shalt  }
0x6a: {  	_ =	shalt  }
0x6b: {  	_ =	shalt  }
0x6c: {  	_ =	shalt  }
0x6d: {  	_ =	shalt  }
0x6e: {  	_ =	shalt  }
0x6f: {  	_ =	shalt  }
0x70: {  	_ =	shalt  }
0x71: {  	_ =	shalt  }
0x72: {  	_ =	shalt  }
0x73: {  	_ =	shalt  }
0x74: {  	_ =	shalt  }
0x75: {  	_ =	shalt  }
0x76: {  	_ =	shalt  }
0x77: {  	_ =	shalt  }
0x78: {  	_ =	shalt  }
0x79: {  	_ =	shalt  }
0x7a: {  	_ =	shalt  }
0x7b: {  	_ =	shalt  }
0x7c: {  	_ =	shalt  }
0x7d: {  	_ =	shalt  }
0x7e: {  	_ =	shalt  }
0x7f: {  	_ =	shalt  }
0x80: {  	_ =	shalt  }
0x81: {  	_ =	shalt  }
0x82: {  	_ =	shalt  }
0x83: {  	_ =	shalt  }
0x84: {  	_ =	shalt  }
0x85: {  	_ =	shalt  }
0x86: {  	_ =	shalt  }
0x87: {  	_ =	shalt  }
.Lfunc_end0:
.L_simem_size_0:
called_computation.1_lowered:
.L_overlay_start_0:
0x88: {  	s2 =	sld [smem:$0x3FD9]  }
0x89: {  	s3 =	sld [smem:$0x3FFE];
	_ =	sdelay $0x1  }
0x8a: {  	s1 =	srdreg.scid  }
0x8b: {  	s0 =	sand.u32 $0x1, s1  }
0x8c: {  	s17 =	sshll.u32 s0, $0xA;
	s2 =	sadd.s32 s3, s2  }
0x8d: {  	s2 =	sadd.s32 s2, s17  }
0x8e: {  	[smem:$0x3FC1] =	sst s2  }
0x8f: {  	_ = 	snop  }
0x90: {  	s2 =	sld [smem:$0x3FC7]  }
0x91: {  	s18 =	sld [smem:$0x3FD0];
	(tm) =	ssettm $0x1  }
0x92: {  	s4 =	sld [smem:$0x3FFB];
	_ =	sdelay $0x3  }
0x93: {  	_ =	strace s4  }
0x94: {  	s4 =	sld [smem:$0x3FFC];
	_ =	sdelay $0x3  }
0x95: {  	_ =	strace s4  }
0x96: {  	s4 =	sld [smem:$0x3FFD];
	_ =	sdelay $0x3  }
0x97: {  	_ =	strace s4  }
0x98: {  	_ =	strace $0x8FFFFFFF  }
0x99: {  	s19 =	sld [smem:$0x3FDB];
	_ =	sdelay $0x1  }
0x9a: {  	s5 =	simm.s32 $_scs_section_size  }
0x9b: {  	s6 =	simm.s32 $_size__tile_overlayer_lowered;
	s7 =	simm.s32 $_tile_overlayer_lowered  }
0x9c: {  	s22 =	simm.s32 $0x1BFF;
	s21 =	sshll.u32 s7, $0x1;
	s4 =	sadd.s32 s5, s19  }
0x9d: {  	s8 =	simm.s32 $0x0;
	s20 =	sshll.u32 s6, $0x1;
	s6 =	sadd.s32 s21, s4  }
0x9e: {  	[timem:s8], [sflag:s22] =	dma.local [hbm:s6], s20  }
0x9f: {  	_ =	swait.ge [sflag:s22], s20  }
0xa0: {  	s5 =	ssub.s32 $0x0, s20;
	[sflag:s22] =	ssyncset.done $0x0  }
0xa1: {  	[sflag:s22] =	ssyncadd.s32 s5;
	_ =	sdelay $0x1  }
0xa2: {  	s23 =	simm.s32 $0x1B8B  }
0xa3: {  	_ =	swait.ge [sflag:s23], $0x1  }
0xa4: {  	[sflag:s23] =	ssyncset.done $0x0  }
0xa5: {  	s25 =	simm.s32 $0x1B8E;
	s24 =	sld [smem:$0x3FFE];
	[sflag:s23] =	ssyncadd.s32 $0xFFFFFFFF  }
0xa6: {  	s26 =	simm.s32 $execute0_lowered;
	[smem:$0x3FD2] =	sst s25  }
0xa7: {  	s6 =	sshll.u32 s26, $0x1;
	_ =	strace $0x80000049;
	[dreg:$0x1] =	wrdreg $0xFFFFFFFF  }
0xa8: {  	s28 =	simm.s32 $_size_execute0_lowered;
	s4 =	sadd.s32 s4, s6;
	[dreg:$0x0] =	wrdreg $0x0  }
0xa9: {  	s6 =	sshll.u32 s28, $0x1;
	[dreg:$0x2] =	wrdreg s4  }
0xaa: {  	[dreg:$0x3] =	wrdreg s6  }
0xab: {  	[dreg:$0x4] =	wrdreg $0xC0  }
0xac: {  	_ =	task [dreg:s8], $0x5FFFF  }
0xad: {  	[dreg:$0x1] =	wrdreg $0xFFFFFFFF  }
0xae: {  	[dreg:$0x0] =	wrdreg $0x60  }
0xaf: {  	[dreg:$0x2] =	wrdreg s18  }
0xb0: {  	[dreg:$0x3] =	wrdreg s24  }
0xb1: {  	[dreg:$0x4] =	wrdreg s2  }
0xb2: {  	[dreg:$0x5] =	wrdreg $0x9  }
0xb3: {  	_ =	task.clear_ibuf [dreg:s8], $0x6FFFF;
	_ =	strace $0x90000049  }
0xb4: {  	s29 =	simm.s32 $0x9;
	_ =	strace $0x8000004B  }
0xb5: {  	_ =	swait.ge [sflag:s29], $0x1  }
0xb6: {  	[sflag:s29] =	ssyncadd.s32 $0xFFFFFFFF  }
0xb7: {  	_ =	strace $0x9000004B  }
0xb8: {  	_ =	sfence  }
0xb9: {  	s30 =	sld [smem:$0x0];
	_ =	sdelay $0x2  }
0xba: {  	s31 =	sshll.u32 s1, $0xD;
	s1 =	sshrl.u32 s1, $0x2  }
0xbb: {  	s3 =	sand.u32 $0x4000, s31;
	s1 =	sadd.s32 s1, s30  }
0xbc: {  	s0 =	sor.u32 s3, s0;
	s1 =	sshll.u32 s1, $0x11  }
0xbd: {  	s0 =	sor.u32 s1, s0  }
0xbe: {  	s0 =	sadd.s32 $0x8F2B, s0  }
0xbf: {  	[sflag:s0] =	ssyncadd.remote.s32 $0x1  }
0xc0: {  	_ =	sfence.sel $0xFFFF  }
0xc1: {  	[dreg:$0x0] =	wrdreg $0xFFFFFFFF;
	(pc) =	sbr.abs _section_cstart, $3  }
0xc2: {  	[dreg:$0x1] =	wrdreg $0xFFFFFFFF  }
0xc3: {  	_ =	task.clear_ibuf [dreg:s8], $0x2FFFF;
	_ =	strace $0x9FFFFFFF  }
0xc4: {  	(tm) =	ssettm $0x7FFFFFFF  }
0xc5: {  	_ =	shalt  }
tec
execute0_lowered:
.L_overlay_start_1:
0x0: {  	(tag) =	ssettag $0x1  }
0x1: {  	s5 =	rddreg [dreg:$0x0]  }
0x2: {  	s4 =	rddreg [dreg:$0x1];
	s1 =	srdreg.scid  }
0x3: {  	s0 =	stileid.u32;
	s2 =	rddreg [dreg:$0x2];
	s3 =	simm.s32 $0x0  }
0x4: {  	s11 =	simm.s32 $0x3;
	s12 =	simm.s32 $0xB680;
	s13 =	simm.s32 $0x13380  }
0x5: {  	s14 =	simm.s32 $0x1;
	s15 =	simm.s32 $0x2800;
	s16 =	simm.s32 $0x2  }
0x6: {  	s17 =	simm.s32 $0x4;
	s6 =	sand.u32 $0x1, s1;
	s7 =	sshll.u32 s0, $0x1  }
0x7: {  	s18 =	simm.s32 $0x5000;
	s1 =	rddreg [dreg:$0x3];
	s7 =	sor.u32 s6, s7  }
0x8: {  	s19 =	simm.s32 $0x0;
	[smem:$0x7FF] =	sst s3;
	s8 =	smul.u32 $0x2800, s7  }
0x9: {  	s9 =	sadd.s32 $0xAC00, s4;
	s6 =	ssub.s32 $0x2, s6;
	s7 =	smul.u32 $0x500, s7  }
0xa: {  	s4 =	sadd.s32 $0xE00, s4;
	_ =	strace $0x8000004A;
	s10 =	sshrl.u32 s6, $0x1  }
0xb: {  	s10 =	ssub.s32 s6, s10;
	s8 =	sshrl.u32 s8, $0x3;
	s5 =	sadd.s32 s5, s7  }
0xc: {  	s6 =	sadd.s32 s9, s7;
	s8 =	sadd.s32 s9, s8;
	s9 =	simm.s32 $0x7800  }
0xd: {  	v0 =	vimm.f32 $0.0e+00;
	s7 =	sadd.s32 $0xA000, s8;
	s8 =	smax.u32 s10, $0x1;
	s10 =	simm.s32 $0xF500  }
.LBB2_1:
0xe: {  	[tilespmem:s3], [sflag:$0x3] =	stream.linear.gather [hbm4b:s5+s3], $0x2800, $0x38;
	[tilespmem:$0x17200] =	vst v63  }
0xf: {  	_ = 	snop  }
0x10: {  	[tilespmem:s9], [sflag:$0x1] =	stream.linear.gather [hbm4b:s4+s3], $0x3E80, $0x38;
	[tilespmem:$0x17200] =	vst v63  }
0x11: {  	s20 =	simm.s32 $0x5070  }
0x12: {  	[tilespmem:s10], [sflag:$0x1] =	stream.linear.gather [hbm4b:s2+s3], $0x3E80, $0x38;
	[tilespmem:$0x17200] =	vst v63  }
0x13: {  	[tilespmem:s20+$0xFFFFD790] =	vst v0  }
0x14: {  	[tilespmem:s20+$0x0] =	vst v0  }
0x15: {  	[tilespmem:s20+$0xFFFFD800] =	vst v0  }
0x16: {  	[tilespmem:s20+$0xFFFFFFF0] =	vst v0  }
0x17: {  	[tilespmem:s20+$0xFFFFD7F0] =	vst v0  }
0x18: {  	[tilespmem:s20+$0xFFFFFFE0] =	vst v0  }
0x19: {  	[tilespmem:s20+$0xFFFFD7E0] =	vst v0  }
0x1a: {  	[tilespmem:s20+$0xFFFFFFD0] =	vst v0  }
0x1b: {  	[tilespmem:s20+$0xFFFFD7D0] =	vst v0  }
0x1c: {  	[tilespmem:s20+$0xFFFFFFC0] =	vst v0  }
0x1d: {  	[tilespmem:s20+$0xFFFFD7C0] =	vst v0  }
0x1e: {  	[tilespmem:s20+$0xFFFFFFB0] =	vst v0  }
0x1f: {  	[tilespmem:s20+$0xFFFFD7B0] =	vst v0  }
0x20: {  	[tilespmem:s20+$0xFFFFFFA0] =	vst v0  }
0x21: {  	s21 =	simm.s32 $0x0;
	[tilespmem:s20+$0xFFFFD7A0] =	vst v0  }
.LBB2_2:
0x22: {  	s21 =	sadd.s32 $0x80, s21;
	[tilespmem:s20+$0xFFFFFF90] =	vst v0;
	s20 =	sadd.s32 $0x80, s20  }
0x23: {  	[tilespmem:s20+$0xFFFFD790] =	vst v0;
	p0 =	slt.u32 s21, $0x2780  }
0x24: {  	[tilespmem:s20+$0x0] =	vst v0  }
0x25: {  	[tilespmem:s20+$0xFFFFD800] =	vst v0  }
0x26: {  	[tilespmem:s20+$0xFFFFFFF0] =	vst v0  }
0x27: {  	[tilespmem:s20+$0xFFFFD7F0] =	vst v0  }
0x28: {  	[tilespmem:s20+$0xFFFFFFE0] =	vst v0  }
0x29: {  	[tilespmem:s20+$0xFFFFD7E0] =	vst v0  }
0x2a: {  	[tilespmem:s20+$0xFFFFFFD0] =	vst v0  }
0x2b: {  	[tilespmem:s20+$0xFFFFD7D0] =	vst v0  }
0x2c: {  	[tilespmem:s20+$0xFFFFFFC0] =	vst v0  }
.Ltmp0:
0x2d: {  	[tilespmem:s20+$0xFFFFD7C0] =	vst v0;
	(pc) =	sbr.rel @p0 .LBB2_2-.Ltmp0, $4  }
0x2e: {  	[tilespmem:s20+$0xFFFFFFB0] =	vst v0  }
0x2f: {  	[tilespmem:s20+$0xFFFFD7B0] =	vst v0  }
0x30: {  	[tilespmem:s20+$0xFFFFFFA0] =	vst v0  }
0x31: {  	[tilespmem:s20+$0xFFFFD7A0] =	vst v0  }
0x32: {  	[tilespmem:s20+$0xFFFFFF90] =	vst v0  }
0x33: {  	_ =	swait.ge [sflag:s11], $0x2800  }
0x34: {  	[sflag:s11] =	ssyncset.done $0x0  }
0x35: {  	s20 =	simm.s32 $0x0;
	[sflag:s11] =	ssyncadd.s32 $0xFFFFD800  }
.LBB2_4:
0x36: {  	s21 =	smul.u32 $0x7D00, s20;
	_ =	sdelay $0x1  }
0x37: {  	s22 =	sshrl.u32 s21, $0x3  }
0x38: {  	s22 =	sadd.s32 $0x7D0, s22  }
0x39: {  	s23 =	sadd.s32 s4, s22  }
0x3a: {  	[tilespmem:s12], [sflag:$0x2] =	stream.linear.gather [hbm4b:s23+s3], $0x3E80, $0x38;
	[tilespmem:$0x17200] =	vst v63  }
0x3b: {  	s22 =	sadd.s32 s2, s22  }
0x3c: {  	[tilespmem:s13], [sflag:$0x2] =	stream.linear.gather [hbm4b:s22+s3], $0x3E80, $0x38;
	[tilespmem:$0x17200] =	vst v63  }
0x3d: {  	_ =	swait.ge [sflag:s14], $0x3E80  }
0x3e: {  	[sflag:s14] =	ssyncset.done $0x0  }
0x3f: {  	[sflag:s14] =	ssyncadd.s32 $0xFFFFC180  }
0x40: {  	_ =	swait.ge [sflag:s14], $0x3E80  }
0x41: {  	[sflag:s14] =	ssyncset.done $0x0  }
0x42: {  	s31 =	simm.s32 $0x7840;
	[sflag:s14] =	ssyncadd.s32 $0xFFFFC180  }
0x43: {  	v1 =	vld [tilespmem:s31+$0x30]  }
0x44: {  	v2 =	vld [tilespmem:s31+$0xFFFFFFD0]  }
0x45: {  	v3 =	vld [tilespmem:s31+$0xFFFFFFE0]  }
0x46: {  	v4 =	vld [tilespmem:s31+$0xFFFFFFF0]  }
0x47: {  	v5 =	vld [tilespmem:s31+$0x0]  }
0x48: {  	v7 =	vld [tilespmem:s31+$0x10];
	v6 =	vand.u32 $0xFFFF, v1  }
0x49: {  	v9 =	vld [tilespmem:s31+$0xFFFFFFC0]  }
0x4a: {  	s22 =	simm.s32 $0xF540;
	v10 =	vld [tilespmem:s31+$0x20]  }
0x4b: {  	v16 =	vld [tilespmem:s22+$0x30]  }
0x4c: {  	v54 =	vld [tilespmem:s22+$0xFFFFFFE0]  }
0x4d: {  	v8 =	vand.u32 $0xFFFF, v2;
	v6 =	vld.idx.msk [tilespmem:v6+s3+$0x0], $0xffff  }
0x4e: {  	v56 =	vld [tilespmem:s22+$0xFFFFFFF0];
	v11 =	vand.u32 $0xFFFF, v3  }
0x4f: {  	v21 =	vld [tilespmem:s22+$0x0];
	v15 =	vand.u32 $0xFFFF, v9  }
0x50: {  	v23 =	vld [tilespmem:s22+$0x10];
	v1 =	vshrl.u32 v1, $0x10  }
0x51: {  	v57 =	vld [tilespmem:s22+$0x20]  }
0x52: {  	v18 =	vadd.s32 $0x2800, v1;
	v8 =	vld.idx.msk [tilespmem:v8+s3+$0x0], $0xffff;
	v19 =	vshll.u32 v6, $0x10  }
0x53: {  	v11 =	vld.idx.msk [tilespmem:v11+s3+$0x0], $0xffff;
	v19 =	vmul.f32 v19, v16  }
0x54: {  	v12 =	vand.u32 $0xFFFF, v4;
	v15 =	vld.idx.msk [tilespmem:v15+s3+$0x0], $0xffff;
	v6 =	vand.u32 $0xFFFF0000, v6  }
0x55: {  	v13 =	vand.u32 $0xFFFF, v5;
	v6 =	vmul.f32 v6, v16;
	[tilespmem:v1+s15+$0x0] =	vst.idx.add.f32.msk $0xffff, v19  }
0x56: {  	v14 =	vand.u32 $0xFFFF, v7;
	v1 =	vld [tilespmem:s22+$0xFFFFFFC0]  }
0x57: {  	v17 =	vand.u32 $0xFFFF, v10;
	[tilespmem:v18+s15+$0x0] =	vst.idx.add.f32.msk $0xffff, v6  }
0x58: {  	v9 =	vshrl.u32 v9, $0x10;
	v6 =	vld [tilespmem:s22+$0xFFFFFFD0]  }
0x59: {  	v55 =	vadd.s32 $0x2800, v9;
	v12 =	vld.idx.msk [tilespmem:v12+s3+$0x0], $0xffff  }
0x5a: {  	v2 =	vshrl.u32 v2, $0x10;
	v13 =	vld.idx.msk [tilespmem:v13+s3+$0x0], $0xffff;
	v20 =	vshll.u32 v15, $0x10  }
0x5b: {  	v22 =	vadd.s32 $0x2800, v2;
	v14 =	vld.idx.msk [tilespmem:v14+s3+$0x0], $0xffff;
	v15 =	vand.u32 $0xFFFF0000, v15;
	v20 =	vmul.f32 v20, v1  }
0x5c: {  	v3 =	vshrl.u32 v3, $0x10;
	v17 =	vld.idx.msk [tilespmem:v17+s3+$0x0], $0xffff;
	v24 =	vshll.u32 v8, $0x10;
	v1 =	vmul.f32 v15, v1  }
0x5d: {  	v25 =	vadd.s32 $0x2800, v3;
	v8 =	vand.u32 $0xFFFF0000, v8;
	v24 =	vmul.f32 v24, v6;
	[tilespmem:v9+s15+$0x0] =	vst.idx.add.f32.msk $0xffff, v20  }
0x5e: {  	v4 =	vshrl.u32 v4, $0x10;
	v58 =	vshll.u32 v11, $0x10;
	v6 =	vmul.f32 v8, v6;
	[tilespmem:v55+s15+$0x0] =	vst.idx.add.f32.msk $0xffff, v1  }
0x5f: {  	v59 =	vand.u32 $0xFFFF0000, v11;
	v9 =	vmul.f32 v58, v54;
	v1 =	vadd.s32 $0x2800, v4;
	[tilespmem:v2+s15+$0x0] =	vst.idx.add.f32.msk $0xffff, v24  }
0x60: {  	v8 =	vmul.f32 v59, v54;
	v2 =	vshrl.u32 v5, $0x10;
	v5 =	vshll.u32 v12, $0x10;
	[tilespmem:v22+s15+$0x0] =	vst.idx.add.f32.msk $0xffff, v6  }
0x61: {  	v60 =	vand.u32 $0xFFFF0000, v12;
	v6 =	vadd.s32 $0x2800, v2;
	v5 =	vmul.f32 v5, v56;
	[tilespmem:v3+s15+$0x0] =	vst.idx.add.f32.msk $0xffff, v9  }
0x62: {  	v61 =	vmul.f32 v60, v56;
	v3 =	vshrl.u32 v7, $0x10;
	v7 =	vshll.u32 v13, $0x10;
	[tilespmem:v25+s15+$0x0] =	vst.idx.add.f32.msk $0xffff, v8  }
0x63: {  	v63 =	vand.u32 $0xFFFF0000, v13;
	v62 =	vadd.s32 $0x2800, v3;
	v7 =	vmul.f32 v7, v21;
	[tilespmem:v4+s15+$0x0] =	vst.idx.add.f32.msk $0xffff, v5  }
0x64: {  	v4 =	vshll.u32 v14, $0x10;
	v5 =	vmul.f32 v63, v21;
	[tilespmem:v1+s15+$0x0] =	vst.idx.add.f32.msk $0xffff, v61  }
0x65: {  	v4 =	vmul.f32 v4, v23;
	v1 =	vand.u32 $0xFFFF0000, v14;
	[tilespmem:v2+s15+$0x0] =	vst.idx.add.f32.msk $0xffff, v7  }
0x66: {  	v7 =	vmul.f32 v1, v23;
	[tilespmem:v6+s15+$0x0] =	vst.idx.add.f32.msk $0xffff, v5  }
0x67: {  	v1 =	vshrl.u32 v10, $0x10;
	v5 =	vshll.u32 v17, $0x10;
	v6 =	vand.u32 $0xFFFF0000, v17;
	[tilespmem:v3+s15+$0x0] =	vst.idx.add.f32.msk $0xffff, v4  }
0x68: {  	s24 =	simm.s32 $0x78C0;
	s23 =	simm.s32 $0x0;
	v2 =	vadd.s32 $0x2800, v1;
	v4 =	vmul.f32 v5, v57;
	v3 =	vmul.f32 v6, v57;
	[tilespmem:v62+s15+$0x0] =	vst.idx.add.f32.msk $0xffff, v7  }
.LBB2_5:
0x69: {  	v5 =	vld [tilespmem:s24+$0x30]  }
0x6a: {  	s23 =	sadd.s32 $0x80, s23;
	v6 =	vld [tilespmem:s24+$0xFFFFFFD0]  }
0x6b: {  	p0 =	slt.u32 s23, $0x3E00;
	v7 =	vld [tilespmem:s24+$0xFFFFFFE0]  }
0x6c: {  	v8 =	vld [tilespmem:s24+$0xFFFFFFF0]  }
0x6d: {  	v9 =	vld [tilespmem:s24+$0x0]  }
0x6e: {  	v10 =	vld [tilespmem:s24+$0x10];
	v11 =	vand.u32 $0xFFFF, v5  }
0x6f: {  	v12 =	vshrl.u32 v6, $0x10;
	v6 =	vand.u32 $0xFFFF, v6;
	v13 =	vld [tilespmem:s24+$0x20]  }
0x70: {  	v14 =	vld [tilespmem:s24+$0xFFFFFFC0];
	v15 =	vadd.s32 $0x2800, v12;
	v16 =	vshrl.u32 v7, $0x10;
	v7 =	vand.u32 $0xFFFF, v7  }
0x71: {  	v17 =	vadd.s32 $0x2800, v16;
	v18 =	vshrl.u32 v8, $0x10;
	v8 =	vand.u32 $0xFFFF, v8;
	[tilespmem:v1+s15+$0x0] =	vst.idx.add.f32.msk $0xffff, v4  }
0x72: {  	v19 =	vadd.s32 $0x2800, v18;
	v20 =	vshrl.u32 v9, $0x10;
	v4 =	vand.u32 $0xFFFF, v9;
	[tilespmem:v2+s15+$0x0] =	vst.idx.add.f32.msk $0xffff, v3  }
0x73: {  	v9 =	vadd.s32 $0x2800, v20;
	v21 =	vshrl.u32 v10, $0x10;
	v3 =	vand.u32 $0xFFFF, v10;
	v10 =	vld.idx.msk [tilespmem:v11+s3+$0x0], $0xffff  }
0x74: {  	s22 =	sadd.s32 $0x80, s22;
	v6 =	vld.idx.msk [tilespmem:v6+s3+$0x0], $0xffff;
	v11 =	vadd.s32 $0x2800, v21;
	v1 =	vshrl.u32 v13, $0x10;
	v13 =	vand.u32 $0xFFFF, v13  }
0x75: {  	v22 =	vshrl.u32 v14, $0x10;
	v14 =	vand.u32 $0xFFFF, v14;
	v2 =	vadd.s32 $0x2800, v1;
	v23 =	vld [tilespmem:s22+$0x30]  }
0x76: {  	v24 =	vadd.s32 $0x2800, v22;
	v7 =	vld.idx.msk [tilespmem:v7+s3+$0x0], $0xffff  }
0x77: {  	v5 =	vshrl.u32 v5, $0x10;
	v8 =	vld.idx.msk [tilespmem:v8+s3+$0x0], $0xffff  }
0x78: {  	v25 =	vadd.s32 $0x2800, v5;
	v4 =	vld.idx.msk [tilespmem:v4+s3+$0x0], $0xffff  }
0x79: {  	v26 =	vshll.u32 v10, $0x10;
	v3 =	vld.idx.msk [tilespmem:v3+s3+$0x0], $0xffff  }
0x7a: {  	v10 =	vand.u32 $0xFFFF0000, v10;
	v27 =	vshll.u32 v6, $0x10;
	v14 =	vld.idx.msk [tilespmem:v14+s3+$0x0], $0xffff;
	v26 =	vmul.f32 v26, v23  }
0x7b: {  	v6 =	vand.u32 $0xFFFF0000, v6;
	v10 =	vmul.f32 v10, v23;
	v13 =	vld.idx.msk [tilespmem:v13+s3+$0x0], $0xffff  }
0x7c: {  	v23 =	vshll.u32 v7, $0x10;
	v7 =	vand.u32 $0xFFFF0000, v7;
	[tilespmem:v5+s15+$0x0] =	vst.idx.add.f32.msk $0xffff, v26  }
0x7d: {  	v5 =	vshll.u32 v8, $0x10;
	v8 =	vand.u32 $0xFFFF0000, v8;
	[tilespmem:v25+s15+$0x0] =	vst.idx.add.f32.msk $0xffff, v10  }
0x7e: {  	v25 =	vshll.u32 v4, $0x10;
	v4 =	vand.u32 $0xFFFF0000, v4;
	v10 =	vld [tilespmem:s22+$0xFFFFFFC0]  }
0x7f: {  	v28 =	vshll.u32 v3, $0x10;
	v3 =	vand.u32 $0xFFFF0000, v3;
	v26 =	vld [tilespmem:s22+$0xFFFFFFD0]  }
0x80: {  	v29 =	vshll.u32 v14, $0x10;
	v14 =	vand.u32 $0xFFFF0000, v14;
	v30 =	vld [tilespmem:s22+$0xFFFFFFE0]  }
0x81: {  	v32 =	vshll.u32 v13, $0x10;
	v13 =	vand.u32 $0xFFFF0000, v13;
	v31 =	vld [tilespmem:s22+$0xFFFFFFF0]  }
0x82: {  	v33 =	vld [tilespmem:s22+$0x0]  }
0x83: {  	v29 =	vmul.f32 v29, v10;
	v10 =	vmul.f32 v14, v10;
	v14 =	vld [tilespmem:s22+$0x10]  }
0x84: {  	v27 =	vmul.f32 v27, v26;
	v6 =	vmul.f32 v6, v26;
	v26 =	vld [tilespmem:s22+$0x20]  }
0x85: {  	[tilespmem:v22+s15+$0x0] =	vst.idx.add.f32.msk $0xffff, v29;
	v22 =	vmul.f32 v23, v30;
	v7 =	vmul.f32 v7, v30  }
0x86: {  	[tilespmem:v24+s15+$0x0] =	vst.idx.add.f32.msk $0xffff, v10;
	v5 =	vmul.f32 v5, v31;
	v8 =	vmul.f32 v8, v31  }
0x87: {  	[tilespmem:v12+s15+$0x0] =	vst.idx.add.f32.msk $0xffff, v27;
	v10 =	vmul.f32 v25, v33;
	v12 =	vmul.f32 v4, v33  }
0x88: {  	[tilespmem:v15+s15+$0x0] =	vst.idx.add.f32.msk $0xffff, v6;
	v6 =	vmul.f32 v28, v14;
	v14 =	vmul.f32 v3, v14  }
0x89: {  	[tilespmem:v16+s15+$0x0] =	vst.idx.add.f32.msk $0xffff, v22;
	v4 =	vmul.f32 v32, v26;
	v3 =	vmul.f32 v13, v26  }
0x8a: {  	[tilespmem:v17+s15+$0x0] =	vst.idx.add.f32.msk $0xffff, v7  }
0x8b: {  	[tilespmem:v18+s15+$0x0] =	vst.idx.add.f32.msk $0xffff, v5  }
.Ltmp1:
0x8c: {  	[tilespmem:v19+s15+$0x0] =	vst.idx.add.f32.msk $0xffff, v8;
	(pc) =	sbr.rel @p0 .LBB2_5-.Ltmp1, $4  }
0x8d: {  	[tilespmem:v20+s15+$0x0] =	vst.idx.add.f32.msk $0xffff, v10  }
0x8e: {  	[tilespmem:v9+s15+$0x0] =	vst.idx.add.f32.msk $0xffff, v12  }
0x8f: {  	[tilespmem:v21+s15+$0x0] =	vst.idx.add.f32.msk $0xffff, v6  }
0x90: {  	s24 =	sadd.s32 $0x80, s24;
	[tilespmem:v11+s15+$0x0] =	vst.idx.add.f32.msk $0xffff, v14  }
0x91: {  	_ =	sdelay $0x1  }
0x92: {  	p0 =	seq.s32 s20, $0x9  }
0x93: {  	s21 =	sshrl.u32 @!p0 s21, $0x3  }
0x94: {  	[tilespmem:v1+s15+$0x0] =	vst.idx.add.f32.msk $0xffff, v4;
	s21 =	sadd.s32 @!p0 $0xFA0, s21  }
0x95: {  	[tilespmem:v2+s15+$0x0] =	vst.idx.add.f32.msk $0xffff, v3;
	s23 =	simm.s32 @!p0 $0x0;
	s24 =	simm.s32 @!p0 $0x7800;
	s22 =	sadd.s32 @!p0 s4, s21  }
0x96: {  	[tilespmem:s24], [sflag:$0x1] =	stream.linear.gather @!p0 [hbm4b:s22+s23], $0x3E80, $0x38;
	[tilespmem:$0x17200] =	vst v63  }
0x97: {  	s21 =	sadd.s32 @!p0 s2, s21;
	s22 =	simm.s32 @!p0 $0xF500  }
0x98: {  	[tilespmem:s22], [sflag:$0x1] =	stream.linear.gather @!p0 [hbm4b:s21+s23], $0x3E80, $0x38;
	[tilespmem:$0x17200] =	vst v63  }
0x99: {  	_ =	swait.ge [sflag:s16], $0x3E80  }
0x9a: {  	[sflag:s16] =	ssyncset.done $0x0  }
0x9b: {  	[sflag:s16] =	ssyncadd.s32 $0xFFFFC180  }
0x9c: {  	_ =	swait.ge [sflag:s16], $0x3E80  }
0x9d: {  	[sflag:s16] =	ssyncset.done $0x0  }
0x9e: {  	s31 =	simm.s32 $0xB6F0;
	[sflag:s16] =	ssyncadd.s32 $0xFFFFC180  }
0x9f: {  	v1 =	vld [tilespmem:s31+$0x0]  }
0xa0: {  	v2 =	vld [tilespmem:s31+$0xFFFFFFA0]  }
0xa1: {  	v3 =	vld [tilespmem:s31+$0xFFFFFFB0]  }
0xa2: {  	v4 =	vld [tilespmem:s31+$0xFFFFFFC0]  }
0xa3: {  	v5 =	vld [tilespmem:s31+$0xFFFFFFD0]  }
0xa4: {  	v7 =	vld [tilespmem:s31+$0xFFFFFFE0];
	v6 =	vand.u32 $0xFFFF, v1  }
0xa5: {  	v9 =	vld [tilespmem:s31+$0xFFFFFF90]  }
0xa6: {  	s21 =	simm.s32 $0x133F0;
	v10 =	vld [tilespmem:s31+$0xFFFFFFF0]  }
0xa7: {  	v16 =	vld [tilespmem:s21+$0x0]  }
0xa8: {  	v54 =	vld [tilespmem:s21+$0xFFFFFFB0]  }
0xa9: {  	v8 =	vand.u32 $0xFFFF, v2;
	v6 =	vld.idx.msk [tilespmem:v6+s3+$0x0], $0xffff  }
0xaa: {  	v56 =	vld [tilespmem:s21+$0xFFFFFFC0];
	v11 =	vand.u32 $0xFFFF, v3  }
0xab: {  	v21 =	vld [tilespmem:s21+$0xFFFFFFD0];
	v15 =	vand.u32 $0xFFFF, v9  }
0xac: {  	v23 =	vld [tilespmem:s21+$0xFFFFFFE0];
	v1 =	vshrl.u32 v1, $0x10  }
0xad: {  	v57 =	vld [tilespmem:s21+$0xFFFFFFF0]  }
0xae: {  	v18 =	vadd.s32 $0x2800, v1;
	v8 =	vld.idx.msk [tilespmem:v8+s3+$0x0], $0xffff;
	v19 =	vshll.u32 v6, $0x10  }
0xaf: {  	v11 =	vld.idx.msk [tilespmem:v11+s3+$0x0], $0xffff;
	v19 =	vmul.f32 v19, v16  }
0xb0: {  	v12 =	vand.u32 $0xFFFF, v4;
	v15 =	vld.idx.msk [tilespmem:v15+s3+$0x0], $0xffff;
	v6 =	vand.u32 $0xFFFF0000, v6  }
0xb1: {  	v13 =	vand.u32 $0xFFFF, v5;
	v6 =	vmul.f32 v6, v16;
	[tilespmem:v1+s15+$0x0] =	vst.idx.add.f32.msk $0xffff, v19  }
0xb2: {  	v14 =	vand.u32 $0xFFFF, v7;
	v1 =	vld [tilespmem:s21+$0xFFFFFF90]  }
0xb3: {  	v17 =	vand.u32 $0xFFFF, v10;
	[tilespmem:v18+s15+$0x0] =	vst.idx.add.f32.msk $0xffff, v6  }
0xb4: {  	v9 =	vshrl.u32 v9, $0x10;
	v6 =	vld [tilespmem:s21+$0xFFFFFFA0]  }
0xb5: {  	v55 =	vadd.s32 $0x2800, v9;
	v12 =	vld.idx.msk [tilespmem:v12+s3+$0x0], $0xffff  }
0xb6: {  	v2 =	vshrl.u32 v2, $0x10;
	v13 =	vld.idx.msk [tilespmem:v13+s3+$0x0], $0xffff;
	v20 =	vshll.u32 v15, $0x10  }
0xb7: {  	v22 =	vadd.s32 $0x2800, v2;
	v14 =	vld.idx.msk [tilespmem:v14+s3+$0x0], $0xffff;
	v15 =	vand.u32 $0xFFFF0000, v15;
	v20 =	vmul.f32 v20, v1  }
0xb8: {  	v3 =	vshrl.u32 v3, $0x10;
	v17 =	vld.idx.msk [tilespmem:v17+s3+$0x0], $0xffff;
	v24 =	vshll.u32 v8, $0x10;
	v1 =	vmul.f32 v15, v1  }
0xb9: {  	v25 =	vadd.s32 $0x2800, v3;
	v8 =	vand.u32 $0xFFFF0000, v8;
	v24 =	vmul.f32 v24, v6;
	[tilespmem:v9+s15+$0x0] =	vst.idx.add.f32.msk $0xffff, v20  }
0xba: {  	v4 =	vshrl.u32 v4, $0x10;
	v58 =	vshll.u32 v11, $0x10;
	v6 =	vmul.f32 v8, v6;
	[tilespmem:v55+s15+$0x0] =	vst.idx.add.f32.msk $0xffff, v1  }
0xbb: {  	v59 =	vand.u32 $0xFFFF0000, v11;
	v9 =	vmul.f32 v58, v54;
	v1 =	vadd.s32 $0x2800, v4;
	[tilespmem:v2+s15+$0x0] =	vst.idx.add.f32.msk $0xffff, v24  }
0xbc: {  	v8 =	vmul.f32 v59, v54;
	v2 =	vshrl.u32 v5, $0x10;
	v5 =	vshll.u32 v12, $0x10;
	[tilespmem:v22+s15+$0x0] =	vst.idx.add.f32.msk $0xffff, v6  }
0xbd: {  	v60 =	vand.u32 $0xFFFF0000, v12;
	v6 =	vadd.s32 $0x2800, v2;
	v5 =	vmul.f32 v5, v56;
	[tilespmem:v3+s15+$0x0] =	vst.idx.add.f32.msk $0xffff, v9  }
0xbe: {  	v61 =	vmul.f32 v60, v56;
	v3 =	vshrl.u32 v7, $0x10;
	v7 =	vshll.u32 v13, $0x10;
	[tilespmem:v25+s15+$0x0] =	vst.idx.add.f32.msk $0xffff, v8  }
0xbf: {  	v63 =	vand.u32 $0xFFFF0000, v13;
	v62 =	vadd.s32 $0x2800, v3;
	v7 =	vmul.f32 v7, v21;
	[tilespmem:v4+s15+$0x0] =	vst.idx.add.f32.msk $0xffff, v5  }
0xc0: {  	v4 =	vshll.u32 v14, $0x10;
	v5 =	vmul.f32 v63, v21;
	[tilespmem:v1+s15+$0x0] =	vst.idx.add.f32.msk $0xffff, v61  }
0xc1: {  	v4 =	vmul.f32 v4, v23;
	v1 =	vand.u32 $0xFFFF0000, v14;
	[tilespmem:v2+s15+$0x0] =	vst.idx.add.f32.msk $0xffff, v7  }
0xc2: {  	v7 =	vmul.f32 v1, v23;
	[tilespmem:v6+s15+$0x0] =	vst.idx.add.f32.msk $0xffff, v5  }
0xc3: {  	v1 =	vshrl.u32 v10, $0x10;
	v5 =	vshll.u32 v17, $0x10;
	v6 =	vand.u32 $0xFFFF0000, v17;
	[tilespmem:v3+s15+$0x0] =	vst.idx.add.f32.msk $0xffff, v4  }
0xc4: {  	s22 =	simm.s32 $0x0;
	s23 =	simm.s32 $0xB770;
	v2 =	vadd.s32 $0x2800, v1;
	v4 =	vmul.f32 v5, v57;
	v3 =	vmul.f32 v6, v57;
	[tilespmem:v62+s15+$0x0] =	vst.idx.add.f32.msk $0xffff, v7  }
.LBB2_7:
0xc5: {  	v5 =	vld [tilespmem:s23+$0x0]  }
0xc6: {  	s22 =	sadd.s32 $0x80, s22;
	v6 =	vld [tilespmem:s23+$0xFFFFFFA0]  }
0xc7: {  	p0 =	slt.u32 s22, $0x3E00;
	v7 =	vld [tilespmem:s23+$0xFFFFFFB0]  }
0xc8: {  	v8 =	vld [tilespmem:s23+$0xFFFFFFC0]  }
0xc9: {  	v9 =	vld [tilespmem:s23+$0xFFFFFFD0]  }
0xca: {  	v10 =	vld [tilespmem:s23+$0xFFFFFFE0];
	v11 =	vand.u32 $0xFFFF, v5  }
0xcb: {  	v12 =	vshrl.u32 v6, $0x10;
	v6 =	vand.u32 $0xFFFF, v6;
	v13 =	vld [tilespmem:s23+$0xFFFFFFF0]  }
0xcc: {  	v14 =	vld [tilespmem:s23+$0xFFFFFF90];
	v15 =	vadd.s32 $0x2800, v12;
	v16 =	vshrl.u32 v7, $0x10;
	v7 =	vand.u32 $0xFFFF, v7  }
0xcd: {  	v17 =	vadd.s32 $0x2800, v16;
	v18 =	vshrl.u32 v8, $0x10;
	v8 =	vand.u32 $0xFFFF, v8;
	[tilespmem:v1+s15+$0x0] =	vst.idx.add.f32.msk $0xffff, v4  }
0xce: {  	v19 =	vadd.s32 $0x2800, v18;
	v20 =	vshrl.u32 v9, $0x10;
	v4 =	vand.u32 $0xFFFF, v9;
	[tilespmem:v2+s15+$0x0] =	vst.idx.add.f32.msk $0xffff, v3  }
0xcf: {  	v9 =	vadd.s32 $0x2800, v20;
	v21 =	vshrl.u32 v10, $0x10;
	v3 =	vand.u32 $0xFFFF, v10;
	v10 =	vld.idx.msk [tilespmem:v11+s3+$0x0], $0xffff  }
0xd0: {  	s21 =	sadd.s32 $0x80, s21;
	v6 =	vld.idx.msk [tilespmem:v6+s3+$0x0], $0xffff;
	v11 =	vadd.s32 $0x2800, v21;
	v1 =	vshrl.u32 v13, $0x10;
	v13 =	vand.u32 $0xFFFF, v13  }
0xd1: {  	v22 =	vshrl.u32 v14, $0x10;
	v14 =	vand.u32 $0xFFFF, v14;
	v2 =	vadd.s32 $0x2800, v1;
	v23 =	vld [tilespmem:s21+$0x0]  }
0xd2: {  	v24 =	vadd.s32 $0x2800, v22;
	v7 =	vld.idx.msk [tilespmem:v7+s3+$0x0], $0xffff  }
0xd3: {  	v5 =	vshrl.u32 v5, $0x10;
	v8 =	vld.idx.msk [tilespmem:v8+s3+$0x0], $0xffff  }
0xd4: {  	v25 =	vadd.s32 $0x2800, v5;
	v4 =	vld.idx.msk [tilespmem:v4+s3+$0x0], $0xffff  }
0xd5: {  	v26 =	vshll.u32 v10, $0x10;
	v3 =	vld.idx.msk [tilespmem:v3+s3+$0x0], $0xffff  }
0xd6: {  	v10 =	vand.u32 $0xFFFF0000, v10;
	v27 =	vshll.u32 v6, $0x10;
	v14 =	vld.idx.msk [tilespmem:v14+s3+$0x0], $0xffff;
	v26 =	vmul.f32 v26, v23  }
0xd7: {  	v6 =	vand.u32 $0xFFFF0000, v6;
	v10 =	vmul.f32 v10, v23;
	v13 =	vld.idx.msk [tilespmem:v13+s3+$0x0], $0xffff  }
0xd8: {  	v23 =	vshll.u32 v7, $0x10;
	v7 =	vand.u32 $0xFFFF0000, v7;
	[tilespmem:v5+s15+$0x0] =	vst.idx.add.f32.msk $0xffff, v26  }
0xd9: {  	v5 =	vshll.u32 v8, $0x10;
	v8 =	vand.u32 $0xFFFF0000, v8;
	[tilespmem:v25+s15+$0x0] =	vst.idx.add.f32.msk $0xffff, v10  }
0xda: {  	v25 =	vshll.u32 v4, $0x10;
	v4 =	vand.u32 $0xFFFF0000, v4;
	v10 =	vld [tilespmem:s21+$0xFFFFFF90]  }
0xdb: {  	v28 =	vshll.u32 v3, $0x10;
	v3 =	vand.u32 $0xFFFF0000, v3;
	v26 =	vld [tilespmem:s21+$0xFFFFFFA0]  }
0xdc: {  	v29 =	vshll.u32 v14, $0x10;
	v14 =	vand.u32 $0xFFFF0000, v14;
	v30 =	vld [tilespmem:s21+$0xFFFFFFB0]  }
0xdd: {  	v32 =	vshll.u32 v13, $0x10;
	v13 =	vand.u32 $0xFFFF0000, v13;
	v31 =	vld [tilespmem:s21+$0xFFFFFFC0]  }
0xde: {  	v33 =	vld [tilespmem:s21+$0xFFFFFFD0]  }
0xdf: {  	v29 =	vmul.f32 v29, v10;
	v10 =	vmul.f32 v14, v10;
	v14 =	vld [tilespmem:s21+$0xFFFFFFE0]  }
0xe0: {  	v27 =	vmul.f32 v27, v26;
	v6 =	vmul.f32 v6, v26;
	v26 =	vld [tilespmem:s21+$0xFFFFFFF0]  }
0xe1: {  	[tilespmem:v22+s15+$0x0] =	vst.idx.add.f32.msk $0xffff, v29;
	v22 =	vmul.f32 v23, v30;
	v7 =	vmul.f32 v7, v30  }
0xe2: {  	[tilespmem:v24+s15+$0x0] =	vst.idx.add.f32.msk $0xffff, v10;
	v5 =	vmul.f32 v5, v31;
	v8 =	vmul.f32 v8, v31  }
0xe3: {  	[tilespmem:v12+s15+$0x0] =	vst.idx.add.f32.msk $0xffff, v27;
	v10 =	vmul.f32 v25, v33;
	v12 =	vmul.f32 v4, v33  }
0xe4: {  	[tilespmem:v15+s15+$0x0] =	vst.idx.add.f32.msk $0xffff, v6;
	v6 =	vmul.f32 v28, v14;
	v14 =	vmul.f32 v3, v14  }
0xe5: {  	[tilespmem:v16+s15+$0x0] =	vst.idx.add.f32.msk $0xffff, v22;
	v4 =	vmul.f32 v32, v26;
	v3 =	vmul.f32 v13, v26  }
0xe6: {  	[tilespmem:v17+s15+$0x0] =	vst.idx.add.f32.msk $0xffff, v7  }
0xe7: {  	[tilespmem:v18+s15+$0x0] =	vst.idx.add.f32.msk $0xffff, v5  }
.Ltmp2:
0xe8: {  	[tilespmem:v19+s15+$0x0] =	vst.idx.add.f32.msk $0xffff, v8;
	(pc) =	sbr.rel @p0 .LBB2_7-.Ltmp2, $4  }
0xe9: {  	[tilespmem:v20+s15+$0x0] =	vst.idx.add.f32.msk $0xffff, v10  }
0xea: {  	[tilespmem:v9+s15+$0x0] =	vst.idx.add.f32.msk $0xffff, v12  }
0xeb: {  	[tilespmem:v21+s15+$0x0] =	vst.idx.add.f32.msk $0xffff, v6  }
0xec: {  	s23 =	sadd.s32 $0x80, s23;
	[tilespmem:v11+s15+$0x0] =	vst.idx.add.f32.msk $0xffff, v14  }
0xed: {  	s20 =	sadd.s32 $0x1, s20  }
0xee: {  	p0 =	sne.s32 s20, $0xA  }
.Ltmp3:
0xef: {  	_ = 	snop;
	(pc) =	sbr.rel @p0 .LBB2_4-.Ltmp3, $3  }
0xf0: {  	_ =	sdelay $0x1  }
0xf1: {  	[tilespmem:v1+s15+$0x0] =	vst.idx.add.f32.msk $0xffff, v4  }
0xf2: {  	[tilespmem:v2+s15+$0x0] =	vst.idx.add.f32.msk $0xffff, v3  }
0xf3: {  	[hbm4b:s6+s3] =	stream.linear.scatter [tilespmem:s15], [sflag:$0x4], $0x2800, $0x38;
	[tilespmem:$0x17200] =	vst v63  }
0xf4: {  	s19 =	sadd.s32 $0x1, s19;
	_ =	swait.ge [sflag:s17], $0x2800  }
0xf5: {  	p0 =	sne.s32 s19, s8;
	[sflag:s17] =	ssyncset.done $0x0  }
.Ltmp4:
0xf6: {  	[sflag:s17] =	ssyncadd.s32 $0xFFFFD800;
	(pc) =	sbr.rel @p0 .LBB2_1-.Ltmp4, $4  }
0xf7: {  	[hbm4b:s7+s3] =	stream.linear.scatter [tilespmem:s18], [sflag:$0x4], $0x2800, $0x38;
	[tilespmem:$0x17200] =	vst v63  }
0xf8: {  	_ =	swait.ge [sflag:s17], $0x2800  }
0xf9: {  	[sflag:s17] =	ssyncset.done $0x0  }
0xfa: {  	[sflag:s17] =	ssyncadd.s32 $0xFFFFD800  }
0xfb: {  	_ =	sfence.sel $0x180000  }
0xfc: {  	[bflag:$0x0] =	sbarrier.arrive $0xFFFF  }
0xfd: {  	p0 =	sne.s32 s0, $0x0;
	_ =	strace $0x9000004A  }
0xfe: {  	s0 =	sadd.s32 @!p0 $0x100000, s1;
	[bflag:$0x2] =	sbarrier.arrive $0xFFFF  }
0xff: {  	[sflag:s0] =	ssyncadd.tile.s32 @!p0 $0x1;
	_ =	shalt  }
.Lfunc_end2:
_tile_overlayer_lowered:
.L_overlay_start_2:
0x100: {  	(tag) =	ssettag $0x2  }
0x101: {  	s0 =	rddreg [dreg:$0x0];
	s2 =	stileid.u32  }
0x102: {  	s1 =	rddreg [dreg:$0x1];
	p0 =	sne.s32 s2, $0x0  }
0x103: {  	s3 =	rddreg [dreg:$0x2];
	[bflag:$0x3] =	sbarrier.arrive $0xFFFF;
	s2 =	simm.s32 @!p0 $0x1C04  }
0x104: {  	[timem:s3], [sflag:s2] =	dma.local @!p0 [hbm:s0], s1  }
0x105: {  	s0 =	simm.s32 @!p0 $0x4  }
0x106: {  	_ =	swait.ge @!p0 [sflag:s0], s1  }
0x107: {  	s1 =	ssub.s32 @!p0 $0x0, s1;
	[sflag:s0] =	ssyncset.done @!p0 $0x0  }
0x108: {  	[sflag:s0] =	ssyncadd.s32 @!p0 s1  }
0x109: {  	[bflag:$0x3] =	sbarrier.arrive $0xFFFF  }
0x10a: {  	_ =	shalt  }

// kernel: kernel.7.cloned.1.call-start
scs
__scs_entry_jumppad:
0x0: {  	(pc) =	sbr.rel $0x88, $3  }
0x1: {  	(tag) =	ssettag $0x0;
	lr =	simm.s32 $0x1  }
0x2: {  	[smem:$0x3F9A] =	sst lr;
	_ =	strace $0xD0000000  }
0x3: {  	_ = 	snop  }
0x4: {  	_ = 	snop  }
0x5: {  	_ = 	snop  }
0x6: {  	_ = 	snop  }
0x7: {  	_ = 	snop  }
__scs_overlays_trampoline_lowered:
0x8: {  	[smem:$0x3FA9] =	sst s0  }
0x9: {  	[smem:$0x3FAA] =	sst s1  }
0xa: {  	[smem:$0x3FAB] =	sst s2  }
0xb: {  	[smem:$0x3FAC] =	sst s3  }
0xc: {  	[smem:$0x3FAD] =	sst s4  }
0xd: {  	[smem:$0x3FAE] =	sst s5  }
0xe: {  	[smem:$0x3FAF] =	sst s6  }
0xf: {  	[smem:$0x3FB0] =	sst s7  }
0x10: {  	[smem:$0x3FB1] =	sst s8  }
0x11: {  	[smem:$0x3FB2] =	sst s9;
	s0 =	simm.s32 @!p0 $0x0  }
0x12: {  	s1 =	sld [smem:$0x3F98];
	s0 =	simm.s32 @p0 $0x1  }
0x13: {  	[smem:$0x3FB3] =	sst s0;
	s0 =	simm.s32 @!p1 $0x0  }
0x14: {  	s2 =	sld [smem:$0x3F97];
	s0 =	simm.s32 @p1 $0x1  }
0x15: {  	[smem:$0x3FB4] =	sst s0;
	s0 =	simm.s32 @!p2 $0x0  }
0x16: {  	s3 =	sld [smem:$0x3FDB];
	s0 =	simm.s32 @p2 $0x1  }
0x17: {  	s4 =	simm.s32 $0x1BF5;
	[smem:$0x3FB6] =	sst s0  }
0x18: {  	s0 =	sld [smem:$0x3F99];
	_ =	swait.ge [sflag:s4], $0x0  }
0x19: {  	s7 =	sld [smem:$0x3F9A]  }
0x1a: {  	s8 =	sadd.s32 $0xFFFFE003, lr  }
0x1b: {  	s9 =	sadd.s32 $0xFFFFFEF7, lr;
	s5 =	simm.s32 $0xFFFFFFFF;
	p2 =	slt.u32 s8, $0xFFFFF086  }
0x1c: {  	p1 =	slt.u32 s9, $0xF7A;
	s5 =	simm.s32 @!p2 $0x0  }
0x1d: {  	s5 =	simm.s32 @p1 $0x1;
	p0 =	seq.s32 s7, s2  }
0x1e: {  	s7 =	smul.u32 @!p0 $0xF7A, s2;
	p2 =	seq.s32 @!p0 s5, $0x0  }
0x1f: {  	s9 =	smul.u32 $0xF7A, s1;
	s8 =	simm.s32 @!p0 $0x1BF5;
	p2 =	por !p2, p0  }
0x20: {  	[sflag:s8] =	ssyncset.s32 @!p0 $0xFFFFF086;
	s6 =	sadd.s32 @!p0 s3, s7;
	s7 =	simm.s32 @!p0 $0x108  }
0x21: {  	s3 =	sadd.s32 s3, s9;
	s6 =	sadd.s32 @!p0 $0x88, s6;
	s7 =	simm.s32 @p2 $0x1082  }
0x22: {  	[simem:s7], [sflag:s8] =	dma.local @!p0 [hbm:s6], $0xF7A  }
0x23: {  	s9 =	sor.u32 $0xD0000000, s2;
	s6 =	simm.s32 $0x108;
	_ =	swait.ge @!p0 [sflag:s8], $0x0  }
0x24: {  	s3 =	sadd.s32 $0x88, s3;
	s6 =	simm.s32 @!p1 $0x1082;
	[sflag:s4] =	ssyncset.s32 $0xFFFFF086  }
0x25: {  	[simem:s6], [sflag:s4] =	dma.local [hbm:s3], $0xF7A  }
0x26: {  	[smem:$0x3F9A] =	sst s1;
	(tag) =	ssettag s2;
	_ =	strace s9  }
0x27: {  	s1 =	sld [smem:$0x3FAA]  }
0x28: {  	s2 =	sld [smem:$0x3FAB]  }
0x29: {  	s4 =	sld [smem:$0x3FAD]  }
0x2a: {  	p0 =	seq.s32 s5, $0x0;
	s5 =	sld [smem:$0x3FAE]  }
0x2b: {  	s6 =	sld [smem:$0x3FAF]  }
0x2c: {  	s7 =	sld [smem:$0x3FB0]  }
0x2d: {  	s3 =	simm.s32 $0x108;
	s8 =	sld [smem:$0x3FB1]  }
0x2e: {  	s3 =	simm.s32 @!p0 $0x1082;
	s9 =	sld [smem:$0x3FB2]  }
0x2f: {  	lr =	sadd.s32 s0, s3;
	s0 =	sld [smem:$0x3FA9]  }
0x30: {  	s3 =	sld [smem:$0x3FAC]  }
0x31: {  	[smem:$0x3FB5] =	sst s10  }
0x32: {  	s10 =	sld [smem:$0x3FB3];
	_ =	sdelay $0x3  }
0x33: {  	p0 =	seq.s32 s10, $0x1;
	s10 =	sld [smem:$0x3FB5];
	_ =	sdelay $0x3  }
0x34: {  	[smem:$0x3FB5] =	sst s10  }
0x35: {  	s10 =	sld [smem:$0x3FB4];
	_ =	sdelay $0x3  }
0x36: {  	p1 =	seq.s32 s10, $0x1;
	s10 =	sld [smem:$0x3FB5];
	_ =	sdelay $0x3  }
0x37: {  	[smem:$0x3FB5] =	sst s10  }
0x38: {  	s10 =	sld [smem:$0x3FB6]  }
0x39: {  	_ = 	snop;
	(pc) =	sbr.ind lr, $3  }
0x3a: {  	_ = 	snop  }
0x3b: {  	_ = 	snop  }
0x3c: {  	p2 =	seq.s32 s10, $0x1;
	s10 =	sld [smem:$0x3FB5]  }
0x3d: {  	_ =	shalt  }
0x3e: {  	_ =	shalt  }
0x3f: {  	_ =	shalt  }
0x40: {  	_ =	shalt  }
0x41: {  	_ =	shalt  }
0x42: {  	_ =	shalt  }
0x43: {  	_ =	shalt  }
0x44: {  	_ =	shalt  }
0x45: {  	_ =	shalt  }
0x46: {  	_ =	shalt  }
0x47: {  	_ =	shalt  }
0x48: {  	_ =	shalt  }
0x49: {  	_ =	shalt  }
0x4a: {  	_ =	shalt  }
0x4b: {  	_ =	shalt  }
0x4c: {  	_ =	shalt  }
0x4d: {  	_ =	shalt  }
0x4e: {  	_ =	shalt  }
0x4f: {  	_ =	shalt  }
0x50: {  	_ =	shalt  }
0x51: {  	_ =	shalt  }
0x52: {  	_ =	shalt  }
0x53: {  	_ =	shalt  }
0x54: {  	_ =	shalt  }
0x55: {  	_ =	shalt  }
0x56: {  	_ =	shalt  }
0x57: {  	_ =	shalt  }
0x58: {  	_ =	shalt  }
0x59: {  	_ =	shalt  }
0x5a: {  	_ =	shalt  }
0x5b: {  	_ =	shalt  }
0x5c: {  	_ =	shalt  }
0x5d: {  	_ =	shalt  }
0x5e: {  	_ =	shalt  }
0x5f: {  	_ =	shalt  }
0x60: {  	_ =	shalt  }
0x61: {  	_ =	shalt  }
0x62: {  	_ =	shalt  }
0x63: {  	_ =	shalt  }
0x64: {  	_ =	shalt  }
0x65: {  	_ =	shalt  }
0x66: {  	_ =	shalt  }
0x67: {  	_ =	shalt  }
0x68: {  	_ =	shalt  }
0x69: {  	_ =	shalt  }
0x6a: {  	_ =	shalt  }
0x6b: {  	_ =	shalt  }
0x6c: {  	_ =	shalt  }
0x6d: {  	_ =	shalt  }
0x6e: {  	_ =	shalt  }
0x6f: {  	_ =	shalt  }
0x70: {  	_ =	shalt  }
0x71: {  	_ =	shalt  }
0x72: {  	_ =	shalt  }
0x73: {  	_ =	shalt  }
0x74: {  	_ =	shalt  }
0x75: {  	_ =	shalt  }
0x76: {  	_ =	shalt  }
0x77: {  	_ =	shalt  }
0x78: {  	_ =	shalt  }
0x79: {  	_ =	shalt  }
0x7a: {  	_ =	shalt  }
0x7b: {  	_ =	shalt  }
0x7c: {  	_ =	shalt  }
0x7d: {  	_ =	shalt  }
0x7e: {  	_ =	shalt  }
0x7f: {  	_ =	shalt  }
0x80: {  	_ =	shalt  }
0x81: {  	_ =	shalt  }
0x82: {  	_ =	shalt  }
0x83: {  	_ =	shalt  }
0x84: {  	_ =	shalt  }
0x85: {  	_ =	shalt  }
0x86: {  	_ =	shalt  }
0x87: {  	_ =	shalt  }
.Lfunc_end0:
.L_simem_size_0:
called_computation_lowered:
.L_overlay_start_0:
0x88: {  	s2 =	sld [smem:$0x3FD9]  }
0x89: {  	s3 =	sld [smem:$0x3FFE];
	_ =	sdelay $0x1  }
0x8a: {  	s1 =	srdreg.scid  }
0x8b: {  	s0 =	sand.u32 $0x1, s1  }
0x8c: {  	s17 =	sshll.u32 s0, $0xA;
	s2 =	sadd.s32 s3, s2  }
0x8d: {  	s2 =	sadd.s32 s2, s17  }
0x8e: {  	[smem:$0x3FC1] =	sst s2  }
0x8f: {  	_ = 	snop  }
0x90: {  	s2 =	sld [smem:$0x3FC7];
	(tm) =	ssettm $0x1  }
0x91: {  	s18 =	sld [smem:$0x3FFB];
	_ =	sdelay $0x3  }
0x92: {  	_ =	strace s18  }
0x93: {  	s3 =	sld [smem:$0x3FFC];
	_ =	sdelay $0x3  }
0x94: {  	_ =	strace s3  }
0x95: {  	s3 =	sld [smem:$0x3FFD];
	_ =	sdelay $0x3  }
0x96: {  	_ =	strace s3  }
0x97: {  	_ =	strace $0x8FFFFFFF  }
0x98: {  	s19 =	sld [smem:$0x3FDB];
	_ =	sdelay $0x1  }
0x99: {  	s4 =	simm.s32 $_scs_section_size  }
0x9a: {  	s5 =	simm.s32 $_size__tile_overlayer_lowered;
	s6 =	simm.s32 $_tile_overlayer_lowered  }
0x9b: {  	s22 =	simm.s32 $0x1BFF;
	s21 =	sshll.u32 s6, $0x1;
	s3 =	sadd.s32 s4, s19  }
0x9c: {  	s7 =	simm.s32 $0x0;
	s20 =	sshll.u32 s5, $0x1;
	s5 =	sadd.s32 s21, s3  }
0x9d: {  	[timem:s7], [sflag:s22] =	dma.local [hbm:s5], s20  }
0x9e: {  	_ =	swait.ge [sflag:s22], s20  }
0x9f: {  	s4 =	ssub.s32 $0x0, s20;
	[sflag:s22] =	ssyncset.done $0x0  }
0xa0: {  	[sflag:s22] =	ssyncadd.s32 s4;
	_ =	sdelay $0x1  }
0xa1: {  	s23 =	simm.s32 $0x1B8B  }
0xa2: {  	_ =	swait.ge [sflag:s23], $0x1  }
0xa3: {  	[sflag:s23] =	ssyncset.done $0x0  }
0xa4: {  	s25 =	simm.s32 $0x1B8E;
	s24 =	sld [smem:$0x3FFE];
	[sflag:s23] =	ssyncadd.s32 $0xFFFFFFFF  }
0xa5: {  	s26 =	simm.s32 $execute0_lowered;
	[smem:$0x3FD2] =	sst s25  }
0xa6: {  	s5 =	sshll.u32 s26, $0x1;
	_ =	strace $0x80000046;
	[dreg:$0x1] =	wrdreg $0xFFFFFFFF  }
0xa7: {  	s28 =	simm.s32 $_size_execute0_lowered;
	s3 =	sadd.s32 s3, s5;
	[dreg:$0x0] =	wrdreg $0x0  }
0xa8: {  	s5 =	sshll.u32 s28, $0x1;
	[dreg:$0x2] =	wrdreg s3  }
0xa9: {  	[dreg:$0x3] =	wrdreg s5  }
0xaa: {  	[dreg:$0x4] =	wrdreg $0xC0  }
0xab: {  	_ =	task [dreg:s7], $0x5FFFF  }
0xac: {  	[dreg:$0x1] =	wrdreg $0xFFFFFFFF  }
0xad: {  	[dreg:$0x0] =	wrdreg $0x60  }
0xae: {  	[dreg:$0x2] =	wrdreg s24  }
0xaf: {  	[dreg:$0x3] =	wrdreg s2  }
0xb0: {  	[dreg:$0x4] =	wrdreg $0x9  }
0xb1: {  	_ =	task.clear_ibuf [dreg:s7], $0x5FFFF;
	_ =	strace $0x90000046  }
0xb2: {  	s29 =	simm.s32 $0x9;
	_ =	strace $0x80000048  }
0xb3: {  	_ =	swait.ge [sflag:s29], $0x1  }
0xb4: {  	[sflag:s29] =	ssyncadd.s32 $0xFFFFFFFF  }
0xb5: {  	_ =	strace $0x90000048  }
0xb6: {  	_ =	sfence  }
0xb7: {  	s30 =	sld [smem:$0x0];
	_ =	sdelay $0x2  }
0xb8: {  	s31 =	sshll.u32 s1, $0xD;
	s1 =	sshrl.u32 s1, $0x2  }
0xb9: {  	s3 =	sand.u32 $0x4000, s31;
	s1 =	sadd.s32 s1, s30  }
0xba: {  	s0 =	sor.u32 s3, s0;
	s1 =	sshll.u32 s1, $0x11  }
0xbb: {  	s0 =	sor.u32 s1, s0  }
0xbc: {  	s0 =	sadd.s32 $0x8F2B, s0  }
0xbd: {  	[sflag:s0] =	ssyncadd.remote.s32 $0x1  }
0xbe: {  	_ =	sfence.sel $0xFFFF  }
0xbf: {  	[dreg:$0x0] =	wrdreg $0xFFFFFFFF;
	(pc) =	sbr.abs _section_cstart, $3  }
0xc0: {  	[dreg:$0x1] =	wrdreg $0xFFFFFFFF  }
0xc1: {  	_ =	task.clear_ibuf [dreg:s7], $0x2FFFF;
	_ =	strace $0x9FFFFFFF  }
0xc2: {  	(tm) =	ssettm $0x7FFFFFFF  }
0xc3: {  	_ =	shalt  }
tec
execute0_lowered:
.L_overlay_start_1:
0x0: {  	(tag) =	ssettag $0x1  }
0x1: {  	s1 =	srdreg.scid;
	s5 =	rddreg [dreg:$0x0]  }
0x2: {  	s0 =	stileid.u32;
	s2 =	rddreg [dreg:$0x1]  }
0x3: {  	s12 =	simm.s32 $0x12E80;
	s13 =	simm.s32 $0x1AB80;
	s14 =	simm.s32 $0x1  }
0x4: {  	s15 =	simm.s32 $0x5000;
	s16 =	simm.s32 $0x2;
	s4 =	sand.u32 $0x1, s1  }
0x5: {  	s17 =	simm.s32 $0x4;
	s30 =	sshll.u32 s0, $0x2;
	s3 =	sshll.u32 s4, $0x1  }
0x6: {  	s18 =	simm.s32 $0xA000;
	s19 =	simm.s32 $0x0;
	s6 =	sor.u32 s3, s30  }
0x7: {  	s1 =	rddreg [dreg:$0x2];
	s10 =	sadd.s32 $0x1EC00, s5;
	s7 =	smul.u32 $0x500, s6  }
0x8: {  	s9 =	ssub.s32 $0x2, s4;
	s3 =	simm.s32 $0x0;
	s6 =	smul.u32 $0x2800, s6  }
0x9: {  	s4 =	sadd.s32 $0xE00, s5;
	s11 =	sshrl.u32 s9, $0x1;
	[smem:$0x7FF] =	sst s3  }
0xa: {  	s9 =	ssub.s32 s9, s11;
	s11 =	simm.s32 $0x3;
	s6 =	sshrl.u32 s6, $0x3  }
0xb: {  	_ =	strace $0x80000047;
	s8 =	sadd.s32 s7, s5;
	s31 =	sadd.s32 s10, s6  }
0xc: {  	s5 =	sadd.s32 $0xAC00, s8;
	s6 =	sadd.s32 s10, s7;
	s8 =	smax.u32 s9, $0x1  }
0xd: {  	v0 =	vimm.f32 $0.0e+00;
	s9 =	simm.s32 $0xF000;
	s10 =	simm.s32 $0x16D00;
	s7 =	sadd.s32 $0x14000, s31  }
.LBB2_1:
0xe: {  	[tilespmem:s3], [sflag:$0x3] =	stream.linear.gather [hbm4b:s5+s3], $0x5000, $0x38;
	[tilespmem:$0x1EA00] =	vst v63  }
0xf: {  	_ = 	snop  }
0x10: {  	[tilespmem:s9], [sflag:$0x1] =	stream.linear.gather [hbm4b:s4+s3], $0x3E80, $0x38;
	[tilespmem:$0x1EA00] =	vst v63  }
0x11: {  	s20 =	simm.s32 $0xC870  }
0x12: {  	[tilespmem:s10], [sflag:$0x1] =	stream.linear.gather [hbm4b:s2+s3], $0x3E80, $0x38;
	[tilespmem:$0x1EA00] =	vst v63  }
0x13: {  	[tilespmem:s20+$0xFFFF8790] =	vst v0  }
0x14: {  	[tilespmem:s20+$0x0] =	vst v0  }
0x15: {  	[tilespmem:s20+$0xFFFFD800] =	vst v0  }
0x16: {  	[tilespmem:s20+$0xFFFFB000] =	vst v0  }
0x17: {  	[tilespmem:s20+$0xFFFF8800] =	vst v0  }
0x18: {  	[tilespmem:s20+$0xFFFFFFF0] =	vst v0  }
0x19: {  	[tilespmem:s20+$0xFFFFD7F0] =	vst v0  }
0x1a: {  	[tilespmem:s20+$0xFFFFAFF0] =	vst v0  }
0x1b: {  	[tilespmem:s20+$0xFFFF87F0] =	vst v0  }
0x1c: {  	[tilespmem:s20+$0xFFFFFFE0] =	vst v0  }
0x1d: {  	[tilespmem:s20+$0xFFFFD7E0] =	vst v0  }
0x1e: {  	[tilespmem:s20+$0xFFFFAFE0] =	vst v0  }
0x1f: {  	[tilespmem:s20+$0xFFFF87E0] =	vst v0  }
0x20: {  	[tilespmem:s20+$0xFFFFFFD0] =	vst v0  }
0x21: {  	[tilespmem:s20+$0xFFFFD7D0] =	vst v0  }
0x22: {  	[tilespmem:s20+$0xFFFFAFD0] =	vst v0  }
0x23: {  	[tilespmem:s20+$0xFFFF87D0] =	vst v0  }
0x24: {  	[tilespmem:s20+$0xFFFFFFC0] =	vst v0  }
0x25: {  	[tilespmem:s20+$0xFFFFD7C0] =	vst v0  }
0x26: {  	[tilespmem:s20+$0xFFFFAFC0] =	vst v0  }
0x27: {  	[tilespmem:s20+$0xFFFF87C0] =	vst v0  }
0x28: {  	[tilespmem:s20+$0xFFFFFFB0] =	vst v0  }
0x29: {  	[tilespmem:s20+$0xFFFFD7B0] =	vst v0  }
0x2a: {  	[tilespmem:s20+$0xFFFFAFB0] =	vst v0  }
0x2b: {  	[tilespmem:s20+$0xFFFF87B0] =	vst v0  }
0x2c: {  	[tilespmem:s20+$0xFFFFFFA0] =	vst v0  }
0x2d: {  	[tilespmem:s20+$0xFFFFD7A0] =	vst v0  }
0x2e: {  	[tilespmem:s20+$0xFFFFAFA0] =	vst v0  }
0x2f: {  	[tilespmem:s20+$0xFFFF87A0] =	vst v0  }
0x30: {  	[tilespmem:s20+$0xFFFFFF90] =	vst v0  }
0x31: {  	s21 =	simm.s32 $0x0;
	[tilespmem:s20+$0xFFFFD790] =	vst v0  }
.LBB2_2:
0x32: {  	s21 =	sadd.s32 $0x80, s21;
	[tilespmem:s20+$0xFFFFAF90] =	vst v0;
	s20 =	sadd.s32 $0x80, s20  }
0x33: {  	[tilespmem:s20+$0xFFFF8790] =	vst v0;
	p0 =	slt.u32 s21, $0x2780  }
0x34: {  	[tilespmem:s20+$0x0] =	vst v0  }
0x35: {  	[tilespmem:s20+$0xFFFFD800] =	vst v0  }
0x36: {  	[tilespmem:s20+$0xFFFFB000] =	vst v0  }
0x37: {  	[tilespmem:s20+$0xFFFF8800] =	vst v0  }
0x38: {  	[tilespmem:s20+$0xFFFFFFF0] =	vst v0  }
0x39: {  	[tilespmem:s20+$0xFFFFD7F0] =	vst v0  }
0x3a: {  	[tilespmem:s20+$0xFFFFAFF0] =	vst v0  }
0x3b: {  	[tilespmem:s20+$0xFFFF87F0] =	vst v0  }
0x3c: {  	[tilespmem:s20+$0xFFFFFFE0] =	vst v0  }
0x3d: {  	[tilespmem:s20+$0xFFFFD7E0] =	vst v0  }
0x3e: {  	[tilespmem:s20+$0xFFFFAFE0] =	vst v0  }
0x3f: {  	[tilespmem:s20+$0xFFFF87E0] =	vst v0  }
0x40: {  	[tilespmem:s20+$0xFFFFFFD0] =	vst v0  }
0x41: {  	[tilespmem:s20+$0xFFFFD7D0] =	vst v0  }
0x42: {  	[tilespmem:s20+$0xFFFFAFD0] =	vst v0  }
0x43: {  	[tilespmem:s20+$0xFFFF87D0] =	vst v0  }
0x44: {  	[tilespmem:s20+$0xFFFFFFC0] =	vst v0  }
0x45: {  	[tilespmem:s20+$0xFFFFD7C0] =	vst v0  }
0x46: {  	[tilespmem:s20+$0xFFFFAFC0] =	vst v0  }
0x47: {  	[tilespmem:s20+$0xFFFF87C0] =	vst v0  }
0x48: {  	[tilespmem:s20+$0xFFFFFFB0] =	vst v0  }
0x49: {  	[tilespmem:s20+$0xFFFFD7B0] =	vst v0  }
0x4a: {  	[tilespmem:s20+$0xFFFFAFB0] =	vst v0  }
0x4b: {  	[tilespmem:s20+$0xFFFF87B0] =	vst v0  }
0x4c: {  	[tilespmem:s20+$0xFFFFFFA0] =	vst v0  }
.Ltmp0:
0x4d: {  	[tilespmem:s20+$0xFFFFD7A0] =	vst v0;
	(pc) =	sbr.rel @p0 .LBB2_2-.Ltmp0, $4  }
0x4e: {  	[tilespmem:s20+$0xFFFFAFA0] =	vst v0  }
0x4f: {  	[tilespmem:s20+$0xFFFF87A0] =	vst v0  }
0x50: {  	[tilespmem:s20+$0xFFFFFF90] =	vst v0  }
0x51: {  	[tilespmem:s20+$0xFFFFD790] =	vst v0  }
0x52: {  	[tilespmem:s20+$0xFFFFAF90] =	vst v0  }
0x53: {  	_ =	swait.ge [sflag:s11], $0x5000  }
0x54: {  	[sflag:s11] =	ssyncset.done $0x0  }
0x55: {  	s20 =	simm.s32 $0x0;
	[sflag:s11] =	ssyncadd.s32 $0xFFFFB000  }
.LBB2_4:
0x56: {  	s21 =	smul.u32 $0x7D00, s20;
	_ =	sdelay $0x1  }
0x57: {  	s22 =	sshrl.u32 s21, $0x3  }
0x58: {  	s22 =	sadd.s32 $0x7D0, s22  }
0x59: {  	s23 =	sadd.s32 s4, s22  }
0x5a: {  	[tilespmem:s12], [sflag:$0x2] =	stream.linear.gather [hbm4b:s23+s3], $0x3E80, $0x38;
	[tilespmem:$0x1EA00] =	vst v63  }
0x5b: {  	s22 =	sadd.s32 s2, s22  }
0x5c: {  	[tilespmem:s13], [sflag:$0x2] =	stream.linear.gather [hbm4b:s22+s3], $0x3E80, $0x38;
	[tilespmem:$0x1EA00] =	vst v63  }
0x5d: {  	_ =	swait.ge [sflag:s14], $0x3E80  }
0x5e: {  	[sflag:s14] =	ssyncset.done $0x0  }
0x5f: {  	[sflag:s14] =	ssyncadd.s32 $0xFFFFC180  }
0x60: {  	_ =	swait.ge [sflag:s14], $0x3E80  }
0x61: {  	[sflag:s14] =	ssyncset.done $0x0  }
0x62: {  	s31 =	simm.s32 $0xF040;
	[sflag:s14] =	ssyncadd.s32 $0xFFFFC180  }
0x63: {  	v1 =	vld [tilespmem:s31+$0x30]  }
0x64: {  	v2 =	vld [tilespmem:s31+$0xFFFFFFD0]  }
0x65: {  	v3 =	vld [tilespmem:s31+$0xFFFFFFE0]  }
0x66: {  	v4 =	vld [tilespmem:s31+$0xFFFFFFF0]  }
0x67: {  	v5 =	vld [tilespmem:s31+$0x0]  }
0x68: {  	v7 =	vld [tilespmem:s31+$0x10];
	v6 =	vand.u32 $0xFFFF, v1  }
0x69: {  	v9 =	vld [tilespmem:s31+$0xFFFFFFC0]  }
0x6a: {  	s22 =	simm.s32 $0x16D40;
	v10 =	vld [tilespmem:s31+$0x20]  }
0x6b: {  	v18 =	vld [tilespmem:s22+$0x30]  }
0x6c: {  	v45 =	vld [tilespmem:s22+$0xFFFFFFD0]  }
0x6d: {  	v14 =	vld.idx.msk [tilespmem:v6+s3+$0x0], $0xffff  }
0x6e: {  	v46 =	vld [tilespmem:s22+$0xFFFFFFE0];
	v8 =	vand.u32 $0xFFFF, v2  }
0x6f: {  	v28 =	vld [tilespmem:s22+$0xFFFFFFF0];
	v17 =	vand.u32 $0xFFFF, v9  }
0x70: {  	v31 =	vld [tilespmem:s22+$0x0];
	v1 =	vshrl.u32 v1, $0x10  }
0x71: {  	v33 =	vld [tilespmem:s22+$0x10];
	v23 =	vadd.s32 $0x5000, v1  }
0x72: {  	v35 =	vld [tilespmem:s22+$0x20];
	v25 =	vshll.u32 v14, $0x10  }
0x73: {  	v16 =	vld.idx.msk [tilespmem:v8+s3+$0x0], $0xffff;
	v6 =	vadd.s32 $0x2800, v6;
	v14 =	vand.u32 $0xFFFF0000, v14;
	v25 =	vmul.f32 v25, v18  }
0x74: {  	v11 =	vand.u32 $0xFFFF, v3;
	v26 =	vld.idx.msk [tilespmem:v17+s3+$0x0], $0xffff;
	v14 =	vmul.f32 v14, v18  }
0x75: {  	v12 =	vand.u32 $0xFFFF, v4;
	[tilespmem:v1+s15+$0x0] =	vst.idx.add.f32.msk $0xffff, v25  }
0x76: {  	v13 =	vand.u32 $0xFFFF, v5;
	[tilespmem:v23+s15+$0x0] =	vst.idx.add.f32.msk $0xffff, v14  }
0x77: {  	v15 =	vand.u32 $0xFFFF, v7;
	v14 =	vld [tilespmem:s22+$0xFFFFFFC0]  }
0x78: {  	v19 =	vand.u32 $0xFFFF, v10;
	v6 =	vld.idx.msk [tilespmem:v6+s3+$0x0], $0xffff  }
0x79: {  	v9 =	vshrl.u32 v9, $0x10;
	v20 =	vld.idx.msk [tilespmem:v11+s3+$0x0], $0xffff  }
0x7a: {  	v32 =	vadd.s32 $0x5000, v9;
	v21 =	vld.idx.msk [tilespmem:v12+s3+$0x0], $0xffff  }
0x7b: {  	v2 =	vshrl.u32 v2, $0x10;
	v29 =	vadd.s32 $0x2800, v1;
	v22 =	vld.idx.msk [tilespmem:v13+s3+$0x0], $0xffff;
	v30 =	vshll.u32 v26, $0x10  }
0x7c: {  	v24 =	vld.idx.msk [tilespmem:v15+s3+$0x0], $0xffff;
	v26 =	vand.u32 $0xFFFF0000, v26;
	v1 =	vadd.s32 $0x7800, v1;
	v30 =	vmul.f32 v30, v14  }
0x7d: {  	v3 =	vshrl.u32 v3, $0x10;
	v27 =	vld.idx.msk [tilespmem:v19+s3+$0x0], $0xffff;
	v26 =	vmul.f32 v26, v14;
	v34 =	vshll.u32 v6, $0x10  }
0x7e: {  	v36 =	vadd.s32 $0x5000, v2;
	v6 =	vand.u32 $0xFFFF0000, v6;
	v34 =	vmul.f32 v34, v18;
	[tilespmem:v9+s15+$0x0] =	vst.idx.add.f32.msk $0xffff, v30  }
0x7f: {  	v5 =	vshrl.u32 v5, $0x10;
	v47 =	vshll.u32 v16, $0x10;
	v6 =	vmul.f32 v6, v18;
	[tilespmem:v32+s15+$0x0] =	vst.idx.add.f32.msk $0xffff, v26  }
0x80: {  	v48 =	vadd.s32 $0x5000, v3;
	v16 =	vand.u32 $0xFFFF0000, v16;
	v18 =	vmul.f32 v47, v45;
	[tilespmem:v29+s15+$0x0] =	vst.idx.add.f32.msk $0xffff, v34  }
0x81: {  	[tilespmem:v1+s15+$0x0] =	vst.idx.add.f32.msk $0xffff, v6;
	v1 =	vshrl.u32 v4, $0x10;
	v4 =	vshll.u32 v20, $0x10;
	v6 =	vmul.f32 v16, v45  }
0x82: {  	[tilespmem:v2+s15+$0x0] =	vst.idx.add.f32.msk $0xffff, v18;
	v20 =	vand.u32 $0xFFFF0000, v20;
	v49 =	vadd.s32 $0x5000, v1;
	v4 =	vmul.f32 v4, v46  }
0x83: {  	v12 =	vadd.s32 $0x2800, v12;
	v50 =	vshll.u32 v21, $0x10;
	v20 =	vmul.f32 v20, v46;
	[tilespmem:v36+s15+$0x0] =	vst.idx.add.f32.msk $0xffff, v6  }
0x84: {  	v21 =	vand.u32 $0xFFFF0000, v21;
	v18 =	vmul.f32 v50, v28;
	v6 =	vadd.s32 $0x5000, v5;
	[tilespmem:v3+s15+$0x0] =	vst.idx.add.f32.msk $0xffff, v4  }
0x85: {  	v21 =	vmul.f32 v21, v28;
	v4 =	vshrl.u32 v7, $0x10;
	v7 =	vshll.u32 v22, $0x10;
	[tilespmem:v48+s15+$0x0] =	vst.idx.add.f32.msk $0xffff, v20  }
0x86: {  	v22 =	vand.u32 $0xFFFF0000, v22;
	v7 =	vmul.f32 v7, v31;
	[tilespmem:v1+s15+$0x0] =	vst.idx.add.f32.msk $0xffff, v18  }
0x87: {  	v52 =	vshrl.u32 v10, $0x10;
	v22 =	vmul.f32 v22, v31;
	[tilespmem:v49+s15+$0x0] =	vst.idx.add.f32.msk $0xffff, v21  }
0x88: {  	v53 =	vadd.s32 $0x2800, v17;
	v10 =	vshll.u32 v24, $0x10;
	[tilespmem:v5+s15+$0x0] =	vst.idx.add.f32.msk $0xffff, v7  }
0x89: {  	v55 =	vshll.u32 v27, $0x10;
	v10 =	vmul.f32 v10, v33;
	v7 =	vadd.s32 $0x5000, v52;
	[tilespmem:v6+s15+$0x0] =	vst.idx.add.f32.msk $0xffff, v22  }
0x8a: {  	v6 =	vadd.s32 $0x2800, v8;
	v8 =	vmul.f32 v55, v35;
	v12 =	vld.idx.msk [tilespmem:v12+s3+$0x0], $0xffff  }
0x8b: {  	v51 =	vadd.s32 $0x5000, v4;
	[tilespmem:v4+s15+$0x0] =	vst.idx.add.f32.msk $0xffff, v10;
	v10 =	vadd.s32 $0x2800, v11;
	v11 =	vand.u32 $0xFFFF0000, v27  }
0x8c: {  	v11 =	vmul.f32 v11, v35;
	[tilespmem:v52+s15+$0x0] =	vst.idx.add.f32.msk $0xffff, v8  }
0x8d: {  	v15 =	vadd.s32 $0x2800, v15;
	v54 =	vand.u32 $0xFFFF0000, v24;
	v8 =	vadd.s32 $0x2800, v13;
	v13 =	vld.idx.msk [tilespmem:v53+s3+$0x0], $0xffff  }
0x8e: {  	v17 =	vmul.f32 v54, v33;
	[tilespmem:v7+s15+$0x0] =	vst.idx.add.f32.msk $0xffff, v11  }
0x8f: {  	v7 =	vadd.s32 $0x2800, v19;
	v6 =	vld.idx.msk [tilespmem:v6+s3+$0x0], $0xffff  }
0x90: {  	[tilespmem:v51+s15+$0x0] =	vst.idx.add.f32.msk $0xffff, v17;
	v11 =	vadd.s32 $0x2800, v9  }
0x91: {  	v56 =	vadd.s32 $0x2800, v2;
	v9 =	vadd.s32 $0x7800, v9;
	v10 =	vld.idx.msk [tilespmem:v10+s3+$0x0], $0xffff  }
0x92: {  	v57 =	vadd.s32 $0x2800, v3;
	v2 =	vadd.s32 $0x7800, v2;
	v15 =	vld.idx.msk [tilespmem:v15+s3+$0x0], $0xffff;
	v58 =	vshll.u32 v13, $0x10  }
0x93: {  	v59 =	vadd.s32 $0x2800, v1;
	v8 =	vld.idx.msk [tilespmem:v8+s3+$0x0], $0xffff;
	v13 =	vand.u32 $0xFFFF0000, v13;
	v19 =	vmul.f32 v58, v14  }
0x94: {  	v3 =	vadd.s32 $0x7800, v3;
	v13 =	vmul.f32 v13, v14;
	v7 =	vld.idx.msk [tilespmem:v7+s3+$0x0], $0xffff;
	v60 =	vshll.u32 v6, $0x10  }
0x95: {  	v14 =	vadd.s32 $0x7800, v1;
	v1 =	vand.u32 $0xFFFF0000, v6;
	[tilespmem:v11+s15+$0x0] =	vst.idx.add.f32.msk $0xffff, v19;
	v6 =	vmul.f32 v60, v45  }
0x96: {  	v62 =	vshll.u32 v12, $0x10;
	v61 =	vshll.u32 v10, $0x10;
	[tilespmem:v9+s15+$0x0] =	vst.idx.add.f32.msk $0xffff, v13;
	v1 =	vmul.f32 v1, v45  }
0x97: {  	v11 =	vadd.s32 $0x2800, v5;
	v10 =	vand.u32 $0xFFFF0000, v10;
	v13 =	vmul.f32 v61, v46;
	[tilespmem:v56+s15+$0x0] =	vst.idx.add.f32.msk $0xffff, v6  }
0x98: {  	v9 =	vadd.s32 $0x7800, v5;
	v5 =	vadd.s32 $0x2800, v4;
	[tilespmem:v2+s15+$0x0] =	vst.idx.add.f32.msk $0xffff, v1;
	v2 =	vmul.f32 v10, v46  }
0x99: {  	v6 =	vadd.s32 $0x7800, v4;
	v4 =	vand.u32 $0xFFFF0000, v12;
	[tilespmem:v57+s15+$0x0] =	vst.idx.add.f32.msk $0xffff, v13;
	v10 =	vmul.f32 v62, v28  }
0x9a: {  	v12 =	vshll.u32 v8, $0x10;
	v1 =	vadd.s32 $0x2800, v52;
	v4 =	vmul.f32 v4, v28;
	[tilespmem:v3+s15+$0x0] =	vst.idx.add.f32.msk $0xffff, v2  }
0x9b: {  	v2 =	vand.u32 $0xFFFF0000, v8;
	v3 =	vshll.u32 v15, $0x10;
	v8 =	vmul.f32 v12, v31;
	[tilespmem:v59+s15+$0x0] =	vst.idx.add.f32.msk $0xffff, v10  }
0x9c: {  	v12 =	vand.u32 $0xFFFF0000, v15;
	v15 =	vshll.u32 v7, $0x10;
	v63 =	vmul.f32 v2, v31;
	[tilespmem:v14+s15+$0x0] =	vst.idx.add.f32.msk $0xffff, v4  }
0x9d: {  	v7 =	vand.u32 $0xFFFF0000, v7;
	v10 =	vmul.f32 v3, v33;
	v13 =	vmul.f32 v12, v33;
	[tilespmem:v11+s15+$0x0] =	vst.idx.add.f32.msk $0xffff, v8  }
0x9e: {  	s24 =	simm.s32 $0xF0C0;
	s23 =	simm.s32 $0x0;
	v2 =	vadd.s32 $0x7800, v52;
	v4 =	vmul.f32 v15, v35;
	v3 =	vmul.f32 v7, v35;
	[tilespmem:v9+s15+$0x0] =	vst.idx.add.f32.msk $0xffff, v63  }
.LBB2_5:
0x9f: {  	v18 =	vld [tilespmem:s24+$0x30]  }
0xa0: {  	v7 =	vld [tilespmem:s24+$0xFFFFFFD0]  }
0xa1: {  	s23 =	sadd.s32 $0x80, s23;
	v8 =	vld [tilespmem:s24+$0xFFFFFFE0]  }
0xa2: {  	p0 =	slt.u32 s23, $0x3E00;
	v12 =	vld [tilespmem:s24+$0xFFFFFFF0]  }
0xa3: {  	v15 =	vld [tilespmem:s24+$0x0]  }
0xa4: {  	v16 =	vld [tilespmem:s24+$0x10];
	v19 =	vand.u32 $0xFFFF, v18  }
0xa5: {  	v11 =	vshrl.u32 v7, $0x10;
	v20 =	vand.u32 $0xFFFF, v7;
	v21 =	vld [tilespmem:s24+$0x20]  }
0xa6: {  	v22 =	vld [tilespmem:s24+$0xFFFFFFC0];
	v14 =	vadd.s32 $0x5000, v11;
	v7 =	vshrl.u32 v8, $0x10;
	v23 =	vand.u32 $0xFFFF, v8  }
0xa7: {  	v9 =	vadd.s32 $0x5000, v7;
	v8 =	vshrl.u32 v12, $0x10;
	v24 =	vand.u32 $0xFFFF, v12;
	[tilespmem:v5+s15+$0x0] =	vst.idx.add.f32.msk $0xffff, v10  }
0xa8: {  	v12 =	vadd.s32 $0x5000, v8;
	v10 =	vshrl.u32 v15, $0x10;
	v5 =	vand.u32 $0xFFFF, v15;
	[tilespmem:v6+s15+$0x0] =	vst.idx.add.f32.msk $0xffff, v13  }
0xa9: {  	v15 =	vadd.s32 $0x5000, v10;
	v13 =	vshrl.u32 v16, $0x10;
	v6 =	vand.u32 $0xFFFF, v16;
	v25 =	vld.idx.msk [tilespmem:v19+s3+$0x0], $0xffff  }
0xaa: {  	s22 =	sadd.s32 $0x80, s22;
	v26 =	vld.idx.msk [tilespmem:v20+s3+$0x0], $0xffff;
	v17 =	vadd.s32 $0x5000, v13;
	v16 =	vshrl.u32 v21, $0x10;
	v21 =	vand.u32 $0xFFFF, v21  }
0xab: {  	v27 =	vshrl.u32 v22, $0x10;
	v22 =	vand.u32 $0xFFFF, v22;
	v28 =	vadd.s32 $0x5000, v16;
	v29 =	vld [tilespmem:s22+$0x30]  }
0xac: {  	v32 =	vadd.s32 $0x2800, v20;
	v30 =	vadd.s32 $0x5000, v27;
	v31 =	vadd.s32 $0x2800, v22;
	v20 =	vld.idx.msk [tilespmem:v23+s3+$0x0], $0xffff  }
0xad: {  	v34 =	vshrl.u32 v18, $0x10;
	v33 =	vadd.s32 $0x2800, v23;
	v23 =	vld.idx.msk [tilespmem:v24+s3+$0x0], $0xffff;
	v24 =	vadd.s32 $0x2800, v24  }
0xae: {  	v36 =	vadd.s32 $0x2800, v5;
	v37 =	vadd.s32 $0x2800, v6;
	v35 =	vld.idx.msk [tilespmem:v5+s3+$0x0], $0xffff;
	v5 =	vadd.s32 $0x5000, v34  }
0xaf: {  	v39 =	vadd.s32 $0x2800, v19;
	v38 =	vadd.s32 $0x2800, v21;
	v18 =	vshll.u32 v25, $0x10;
	v6 =	vld.idx.msk [tilespmem:v6+s3+$0x0], $0xffff  }
0xb0: {  	v19 =	vand.u32 $0xFFFF0000, v25;
	v41 =	vshll.u32 v26, $0x10;
	v40 =	vld.idx.msk [tilespmem:v22+s3+$0x0], $0xffff;
	v22 =	vmul.f32 v18, v29  }
0xb1: {  	v25 =	vand.u32 $0xFFFF0000, v26;
	v18 =	vadd.s32 $0x2800, v27;
	v26 =	vld.idx.msk [tilespmem:v21+s3+$0x0], $0xffff;
	v21 =	vmul.f32 v19, v29  }
0xb2: {  	v19 =	vadd.s32 $0x7800, v27;
	v42 =	vshll.u32 v20, $0x10;
	v43 =	vand.u32 $0xFFFF0000, v20;
	[tilespmem:v34+s15+$0x0] =	vst.idx.add.f32.msk $0xffff, v22  }
0xb3: {  	v20 =	vadd.s32 $0x2800, v11;
	v44 =	vshll.u32 v23, $0x10;
	v45 =	vand.u32 $0xFFFF0000, v23;
	[tilespmem:v5+s15+$0x0] =	vst.idx.add.f32.msk $0xffff, v21  }
0xb4: {  	v21 =	vadd.s32 $0x7800, v11;
	v46 =	vshll.u32 v35, $0x10;
	v35 =	vand.u32 $0xFFFF0000, v35;
	v39 =	vld.idx.msk [tilespmem:v39+s3+$0x0], $0xffff  }
0xb5: {  	v22 =	vadd.s32 $0x2800, v7;
	v48 =	vshll.u32 v6, $0x10;
	v49 =	vand.u32 $0xFFFF0000, v6;
	v47 =	vld [tilespmem:s22+$0xFFFFFFC0]  }
0xb6: {  	v51 =	vadd.s32 $0x7800, v7;
	v6 =	vshll.u32 v40, $0x10;
	v40 =	vand.u32 $0xFFFF0000, v40;
	v50 =	vld [tilespmem:s22+$0xFFFFFFD0]  }
0xb7: {  	v53 =	vadd.s32 $0x2800, v8;
	v54 =	vshll.u32 v26, $0x10;
	v26 =	vand.u32 $0xFFFF0000, v26;
	v52 =	vld [tilespmem:s22+$0xFFFFFFE0]  }
0xb8: {  	v57 =	vadd.s32 $0x2800, v34;
	v56 =	vadd.s32 $0x7800, v8;
	v23 =	vadd.s32 $0x2800, v10;
	v55 =	vld [tilespmem:s22+$0xFFFFFFF0]  }
0xb9: {  	v59 =	vadd.s32 $0x7800, v10;
	v34 =	vadd.s32 $0x7800, v34;
	v5 =	vadd.s32 $0x2800, v13;
	v58 =	vld [tilespmem:s22+$0x0]  }
0xba: {  	v61 =	vshll.u32 v39, $0x10;
	v6 =	vmul.f32 v6, v47;
	v40 =	vmul.f32 v40, v47;
	v60 =	vld [tilespmem:s22+$0x10]  }
0xbb: {  	v39 =	vand.u32 $0xFFFF0000, v39;
	v61 =	vmul.f32 v61, v29;
	v41 =	vmul.f32 v41, v50;
	v62 =	vld [tilespmem:s22+$0x20]  }
0xbc: {  	v25 =	vmul.f32 v25, v50;
	[tilespmem:v27+s15+$0x0] =	vst.idx.add.f32.msk $0xffff, v6;
	v6 =	vadd.s32 $0x7800, v13;
	v27 =	vmul.f32 v39, v29  }
0xbd: {  	v29 =	vmul.f32 v42, v52;
	v39 =	vmul.f32 v43, v52;
	v42 =	vadd.s32 $0x2800, v16;
	[tilespmem:v57+s15+$0x0] =	vst.idx.add.f32.msk $0xffff, v61  }
0xbe: {  	v43 =	vmul.f32 v44, v55;
	v44 =	vmul.f32 v45, v55;
	v45 =	vadd.s32 $0x7800, v16;
	[tilespmem:v34+s15+$0x0] =	vst.idx.add.f32.msk $0xffff, v27  }
0xbf: {  	v27 =	vmul.f32 v46, v58;
	[tilespmem:v30+s15+$0x0] =	vst.idx.add.f32.msk $0xffff, v40;
	v30 =	vmul.f32 v35, v58  }
0xc0: {  	v34 =	vmul.f32 v49, v60;
	[tilespmem:v11+s15+$0x0] =	vst.idx.add.f32.msk $0xffff, v41;
	v11 =	vmul.f32 v48, v60  }
0xc1: {  	[tilespmem:v14+s15+$0x0] =	vst.idx.add.f32.msk $0xffff, v25;
	v14 =	vmul.f32 v54, v62;
	v25 =	vmul.f32 v26, v62  }
0xc2: {  	[tilespmem:v7+s15+$0x0] =	vst.idx.add.f32.msk $0xffff, v29  }
0xc3: {  	[tilespmem:v9+s15+$0x0] =	vst.idx.add.f32.msk $0xffff, v39  }
0xc4: {  	[tilespmem:v8+s15+$0x0] =	vst.idx.add.f32.msk $0xffff, v43  }
0xc5: {  	[tilespmem:v12+s15+$0x0] =	vst.idx.add.f32.msk $0xffff, v44  }
0xc6: {  	[tilespmem:v10+s15+$0x0] =	vst.idx.add.f32.msk $0xffff, v27  }
0xc7: {  	[tilespmem:v15+s15+$0x0] =	vst.idx.add.f32.msk $0xffff, v30  }
0xc8: {  	[tilespmem:v13+s15+$0x0] =	vst.idx.add.f32.msk $0xffff, v11  }
0xc9: {  	[tilespmem:v17+s15+$0x0] =	vst.idx.add.f32.msk $0xffff, v34  }
0xca: {  	[tilespmem:v16+s15+$0x0] =	vst.idx.add.f32.msk $0xffff, v14  }
0xcb: {  	[tilespmem:v28+s15+$0x0] =	vst.idx.add.f32.msk $0xffff, v25  }
0xcc: {  	v7 =	vld.idx.msk [tilespmem:v31+s3+$0x0], $0xffff  }
0xcd: {  	v8 =	vld.idx.msk [tilespmem:v32+s3+$0x0], $0xffff  }
0xce: {  	v9 =	vld.idx.msk [tilespmem:v33+s3+$0x0], $0xffff  }
0xcf: {  	v10 =	vld.idx.msk [tilespmem:v24+s3+$0x0], $0xffff  }
0xd0: {  	v11 =	vld.idx.msk [tilespmem:v36+s3+$0x0], $0xffff  }
0xd1: {  	v12 =	vld.idx.msk [tilespmem:v37+s3+$0x0], $0xffff  }
0xd2: {  	v13 =	vshll.u32 v7, $0x10;
	v7 =	vand.u32 $0xFFFF0000, v7;
	v14 =	vld.idx.msk [tilespmem:v38+s3+$0x0], $0xffff  }
0xd3: {  	v13 =	vmul.f32 v13, v47;
	v15 =	vshll.u32 v8, $0x10;
	v8 =	vand.u32 $0xFFFF0000, v8;
	[tilespmem:v1+s15+$0x0] =	vst.idx.add.f32.msk $0xffff, v4;
	v1 =	vmovc v42  }
0xd4: {  	v4 =	vmul.f32 v7, v47;
	v7 =	vshll.u32 v9, $0x10;
	v9 =	vand.u32 $0xFFFF0000, v9;
	[tilespmem:v2+s15+$0x0] =	vst.idx.add.f32.msk $0xffff, v3;
	v2 =	vmovc v45  }
0xd5: {  	v3 =	vmul.f32 v15, v50;
	[tilespmem:v18+s15+$0x0] =	vst.idx.add.f32.msk $0xffff, v13;
	v13 =	vshll.u32 v10, $0x10;
	v10 =	vand.u32 $0xFFFF0000, v10  }
0xd6: {  	[tilespmem:v19+s15+$0x0] =	vst.idx.add.f32.msk $0xffff, v4;
	v4 =	vmul.f32 v8, v50;
	v8 =	vshll.u32 v11, $0x10;
	v11 =	vand.u32 $0xFFFF0000, v11  }
0xd7: {  	[tilespmem:v20+s15+$0x0] =	vst.idx.add.f32.msk $0xffff, v3;
	v3 =	vmul.f32 v7, v52;
	v7 =	vshll.u32 v12, $0x10;
	v12 =	vand.u32 $0xFFFF0000, v12  }
0xd8: {  	[tilespmem:v21+s15+$0x0] =	vst.idx.add.f32.msk $0xffff, v4;
	v4 =	vmul.f32 v9, v52;
	v9 =	vshll.u32 v14, $0x10;
	v14 =	vand.u32 $0xFFFF0000, v14  }
0xd9: {  	v15 =	vmul.f32 v10, v55;
	[tilespmem:v22+s15+$0x0] =	vst.idx.add.f32.msk $0xffff, v3;
	v3 =	vmul.f32 v13, v55  }
.Ltmp1:
0xda: {  	v8 =	vmul.f32 v8, v58;
	v11 =	vmul.f32 v11, v58;
	[tilespmem:v51+s15+$0x0] =	vst.idx.add.f32.msk $0xffff, v4;
	(pc) =	sbr.rel @p0 .LBB2_5-.Ltmp1, $4  }
0xdb: {  	v10 =	vmul.f32 v7, v60;
	v13 =	vmul.f32 v12, v60;
	[tilespmem:v53+s15+$0x0] =	vst.idx.add.f32.msk $0xffff, v3  }
0xdc: {  	v4 =	vmul.f32 v9, v62;
	v3 =	vmul.f32 v14, v62;
	[tilespmem:v56+s15+$0x0] =	vst.idx.add.f32.msk $0xffff, v15  }
0xdd: {  	[tilespmem:v23+s15+$0x0] =	vst.idx.add.f32.msk $0xffff, v8  }
0xde: {  	s24 =	sadd.s32 $0x80, s24;
	[tilespmem:v59+s15+$0x0] =	vst.idx.add.f32.msk $0xffff, v11  }
0xdf: {  	_ =	sdelay $0x3  }
0xe0: {  	[tilespmem:v5+s15+$0x0] =	vst.idx.add.f32.msk $0xffff, v10;
	p0 =	seq.s32 s20, $0x9  }
0xe1: {  	[tilespmem:v1+s15+$0x0] =	vst.idx.add.f32.msk $0xffff, v4;
	s21 =	sshrl.u32 @!p0 s21, $0x3  }
0xe2: {  	[tilespmem:v6+s15+$0x0] =	vst.idx.add.f32.msk $0xffff, v13;
	s21 =	sadd.s32 @!p0 $0xFA0, s21  }
0xe3: {  	[tilespmem:v2+s15+$0x0] =	vst.idx.add.f32.msk $0xffff, v3;
	s23 =	simm.s32 @!p0 $0x0;
	s24 =	simm.s32 @!p0 $0xF000;
	s22 =	sadd.s32 @!p0 s4, s21  }
0xe4: {  	[tilespmem:s24], [sflag:$0x1] =	stream.linear.gather @!p0 [hbm4b:s22+s23], $0x3E80, $0x38;
	[tilespmem:$0x1EA00] =	vst v63  }
0xe5: {  	s21 =	sadd.s32 @!p0 s2, s21;
	s22 =	simm.s32 @!p0 $0x16D00  }
0xe6: {  	[tilespmem:s22], [sflag:$0x1] =	stream.linear.gather @!p0 [hbm4b:s21+s23], $0x3E80, $0x38;
	[tilespmem:$0x1EA00] =	vst v63  }
0xe7: {  	_ =	swait.ge [sflag:s16], $0x3E80  }
0xe8: {  	[sflag:s16] =	ssyncset.done $0x0  }
0xe9: {  	[sflag:s16] =	ssyncadd.s32 $0xFFFFC180  }
0xea: {  	_ =	swait.ge [sflag:s16], $0x3E80  }
0xeb: {  	[sflag:s16] =	ssyncset.done $0x0  }
0xec: {  	s31 =	simm.s32 $0x12EF0;
	[sflag:s16] =	ssyncadd.s32 $0xFFFFC180  }
0xed: {  	v1 =	vld [tilespmem:s31+$0x0]  }
0xee: {  	v2 =	vld [tilespmem:s31+$0xFFFFFFA0]  }
0xef: {  	v3 =	vld [tilespmem:s31+$0xFFFFFFB0]  }
0xf0: {  	v4 =	vld [tilespmem:s31+$0xFFFFFFC0]  }
0xf1: {  	v5 =	vld [tilespmem:s31+$0xFFFFFFD0]  }
0xf2: {  	v7 =	vld [tilespmem:s31+$0xFFFFFFE0];
	v6 =	vand.u32 $0xFFFF, v1  }
0xf3: {  	v9 =	vld [tilespmem:s31+$0xFFFFFF90]  }
0xf4: {  	s21 =	simm.s32 $0x1ABF0;
	v10 =	vld [tilespmem:s31+$0xFFFFFFF0]  }
0xf5: {  	v18 =	vld [tilespmem:s21+$0x0]  }
0xf6: {  	v45 =	vld [tilespmem:s21+$0xFFFFFFA0]  }
0xf7: {  	v14 =	vld.idx.msk [tilespmem:v6+s3+$0x0], $0xffff  }
0xf8: {  	v46 =	vld [tilespmem:s21+$0xFFFFFFB0];
	v8 =	vand.u32 $0xFFFF, v2  }
0xf9: {  	v28 =	vld [tilespmem:s21+$0xFFFFFFC0];
	v17 =	vand.u32 $0xFFFF, v9  }
0xfa: {  	v31 =	vld [tilespmem:s21+$0xFFFFFFD0];
	v1 =	vshrl.u32 v1, $0x10  }
0xfb: {  	v33 =	vld [tilespmem:s21+$0xFFFFFFE0];
	v23 =	vadd.s32 $0x5000, v1  }
0xfc: {  	v35 =	vld [tilespmem:s21+$0xFFFFFFF0];
	v25 =	vshll.u32 v14, $0x10  }
0xfd: {  	v16 =	vld.idx.msk [tilespmem:v8+s3+$0x0], $0xffff;
	v6 =	vadd.s32 $0x2800, v6;
	v14 =	vand.u32 $0xFFFF0000, v14;
	v25 =	vmul.f32 v25, v18  }
0xfe: {  	v11 =	vand.u32 $0xFFFF, v3;
	v26 =	vld.idx.msk [tilespmem:v17+s3+$0x0], $0xffff;
	v14 =	vmul.f32 v14, v18  }
0xff: {  	v12 =	vand.u32 $0xFFFF, v4;
	[tilespmem:v1+s15+$0x0] =	vst.idx.add.f32.msk $0xffff, v25  }
0x100: {  	v13 =	vand.u32 $0xFFFF, v5;
	[tilespmem:v23+s15+$0x0] =	vst.idx.add.f32.msk $0xffff, v14  }
0x101: {  	v15 =	vand.u32 $0xFFFF, v7;
	v14 =	vld [tilespmem:s21+$0xFFFFFF90]  }
0x102: {  	v19 =	vand.u32 $0xFFFF, v10;
	v6 =	vld.idx.msk [tilespmem:v6+s3+$0x0], $0xffff  }
0x103: {  	v9 =	vshrl.u32 v9, $0x10;
	v20 =	vld.idx.msk [tilespmem:v11+s3+$0x0], $0xffff  }
0x104: {  	v32 =	vadd.s32 $0x5000, v9;
	v21 =	vld.idx.msk [tilespmem:v12+s3+$0x0], $0xffff  }
0x105: {  	v2 =	vshrl.u32 v2, $0x10;
	v29 =	vadd.s32 $0x2800, v1;
	v22 =	vld.idx.msk [tilespmem:v13+s3+$0x0], $0xffff;
	v30 =	vshll.u32 v26, $0x10  }
0x106: {  	v24 =	vld.idx.msk [tilespmem:v15+s3+$0x0], $0xffff;
	v26 =	vand.u32 $0xFFFF0000, v26;
	v1 =	vadd.s32 $0x7800, v1;
	v30 =	vmul.f32 v30, v14  }
0x107: {  	v3 =	vshrl.u32 v3, $0x10;
	v27 =	vld.idx.msk [tilespmem:v19+s3+$0x0], $0xffff;
	v26 =	vmul.f32 v26, v14;
	v34 =	vshll.u32 v6, $0x10  }
0x108: {  	v36 =	vadd.s32 $0x5000, v2;
	v6 =	vand.u32 $0xFFFF0000, v6;
	v34 =	vmul.f32 v34, v18;
	[tilespmem:v9+s15+$0x0] =	vst.idx.add.f32.msk $0xffff, v30  }
0x109: {  	v5 =	vshrl.u32 v5, $0x10;
	v47 =	vshll.u32 v16, $0x10;
	v6 =	vmul.f32 v6, v18;
	[tilespmem:v32+s15+$0x0] =	vst.idx.add.f32.msk $0xffff, v26  }
0x10a: {  	v48 =	vadd.s32 $0x5000, v3;
	v16 =	vand.u32 $0xFFFF0000, v16;
	v18 =	vmul.f32 v47, v45;
	[tilespmem:v29+s15+$0x0] =	vst.idx.add.f32.msk $0xffff, v34  }
0x10b: {  	[tilespmem:v1+s15+$0x0] =	vst.idx.add.f32.msk $0xffff, v6;
	v1 =	vshrl.u32 v4, $0x10;
	v4 =	vshll.u32 v20, $0x10;
	v6 =	vmul.f32 v16, v45  }
0x10c: {  	[tilespmem:v2+s15+$0x0] =	vst.idx.add.f32.msk $0xffff, v18;
	v20 =	vand.u32 $0xFFFF0000, v20;
	v49 =	vadd.s32 $0x5000, v1;
	v4 =	vmul.f32 v4, v46  }
0x10d: {  	v12 =	vadd.s32 $0x2800, v12;
	v50 =	vshll.u32 v21, $0x10;
	v20 =	vmul.f32 v20, v46;
	[tilespmem:v36+s15+$0x0] =	vst.idx.add.f32.msk $0xffff, v6  }
0x10e: {  	v21 =	vand.u32 $0xFFFF0000, v21;
	v18 =	vmul.f32 v50, v28;
	v6 =	vadd.s32 $0x5000, v5;
	[tilespmem:v3+s15+$0x0] =	vst.idx.add.f32.msk $0xffff, v4  }
0x10f: {  	v21 =	vmul.f32 v21, v28;
	v4 =	vshrl.u32 v7, $0x10;
	v7 =	vshll.u32 v22, $0x10;
	[tilespmem:v48+s15+$0x0] =	vst.idx.add.f32.msk $0xffff, v20  }
0x110: {  	v22 =	vand.u32 $0xFFFF0000, v22;
	v7 =	vmul.f32 v7, v31;
	[tilespmem:v1+s15+$0x0] =	vst.idx.add.f32.msk $0xffff, v18  }
0x111: {  	v52 =	vshrl.u32 v10, $0x10;
	v22 =	vmul.f32 v22, v31;
	[tilespmem:v49+s15+$0x0] =	vst.idx.add.f32.msk $0xffff, v21  }
0x112: {  	v53 =	vadd.s32 $0x2800, v17;
	v10 =	vshll.u32 v24, $0x10;
	[tilespmem:v5+s15+$0x0] =	vst.idx.add.f32.msk $0xffff, v7  }
0x113: {  	v55 =	vshll.u32 v27, $0x10;
	v10 =	vmul.f32 v10, v33;
	v7 =	vadd.s32 $0x5000, v52;
	[tilespmem:v6+s15+$0x0] =	vst.idx.add.f32.msk $0xffff, v22  }
0x114: {  	v6 =	vadd.s32 $0x2800, v8;
	v8 =	vmul.f32 v55, v35;
	v12 =	vld.idx.msk [tilespmem:v12+s3+$0x0], $0xffff  }
0x115: {  	v51 =	vadd.s32 $0x5000, v4;
	[tilespmem:v4+s15+$0x0] =	vst.idx.add.f32.msk $0xffff, v10;
	v10 =	vadd.s32 $0x2800, v11;
	v11 =	vand.u32 $0xFFFF0000, v27  }
0x116: {  	v11 =	vmul.f32 v11, v35;
	[tilespmem:v52+s15+$0x0] =	vst.idx.add.f32.msk $0xffff, v8  }
0x117: {  	v15 =	vadd.s32 $0x2800, v15;
	v54 =	vand.u32 $0xFFFF0000, v24;
	v8 =	vadd.s32 $0x2800, v13;
	v13 =	vld.idx.msk [tilespmem:v53+s3+$0x0], $0xffff  }
0x118: {  	v17 =	vmul.f32 v54, v33;
	[tilespmem:v7+s15+$0x0] =	vst.idx.add.f32.msk $0xffff, v11  }
0x119: {  	v7 =	vadd.s32 $0x2800, v19;
	v6 =	vld.idx.msk [tilespmem:v6+s3+$0x0], $0xffff  }
0x11a: {  	[tilespmem:v51+s15+$0x0] =	vst.idx.add.f32.msk $0xffff, v17;
	v11 =	vadd.s32 $0x2800, v9  }
0x11b: {  	v56 =	vadd.s32 $0x2800, v2;
	v9 =	vadd.s32 $0x7800, v9;
	v10 =	vld.idx.msk [tilespmem:v10+s3+$0x0], $0xffff  }
0x11c: {  	v57 =	vadd.s32 $0x2800, v3;
	v2 =	vadd.s32 $0x7800, v2;
	v15 =	vld.idx.msk [tilespmem:v15+s3+$0x0], $0xffff;
	v58 =	vshll.u32 v13, $0x10  }
0x11d: {  	v59 =	vadd.s32 $0x2800, v1;
	v8 =	vld.idx.msk [tilespmem:v8+s3+$0x0], $0xffff;
	v13 =	vand.u32 $0xFFFF0000, v13;
	v19 =	vmul.f32 v58, v14  }
0x11e: {  	v3 =	vadd.s32 $0x7800, v3;
	v13 =	vmul.f32 v13, v14;
	v7 =	vld.idx.msk [tilespmem:v7+s3+$0x0], $0xffff;
	v60 =	vshll.u32 v6, $0x10  }
0x11f: {  	v14 =	vadd.s32 $0x7800, v1;
	v1 =	vand.u32 $0xFFFF0000, v6;
	[tilespmem:v11+s15+$0x0] =	vst.idx.add.f32.msk $0xffff, v19;
	v6 =	vmul.f32 v60, v45  }
0x120: {  	v62 =	vshll.u32 v12, $0x10;
	v61 =	vshll.u32 v10, $0x10;
	[tilespmem:v9+s15+$0x0] =	vst.idx.add.f32.msk $0xffff, v13;
	v1 =	vmul.f32 v1, v45  }
0x121: {  	v11 =	vadd.s32 $0x2800, v5;
	v10 =	vand.u32 $0xFFFF0000, v10;
	v13 =	vmul.f32 v61, v46;
	[tilespmem:v56+s15+$0x0] =	vst.idx.add.f32.msk $0xffff, v6  }
0x122: {  	v9 =	vadd.s32 $0x7800, v5;
	v5 =	vadd.s32 $0x2800, v4;
	[tilespmem:v2+s15+$0x0] =	vst.idx.add.f32.msk $0xffff, v1;
	v2 =	vmul.f32 v10, v46  }
0x123: {  	v6 =	vadd.s32 $0x7800, v4;
	v4 =	vand.u32 $0xFFFF0000, v12;
	[tilespmem:v57+s15+$0x0] =	vst.idx.add.f32.msk $0xffff, v13;
	v10 =	vmul.f32 v62, v28  }
0x124: {  	v12 =	vshll.u32 v8, $0x10;
	v1 =	vadd.s32 $0x2800, v52;
	v4 =	vmul.f32 v4, v28;
	[tilespmem:v3+s15+$0x0] =	vst.idx.add.f32.msk $0xffff, v2  }
0x125: {  	v2 =	vand.u32 $0xFFFF0000, v8;
	v3 =	vshll.u32 v15, $0x10;
	v8 =	vmul.f32 v12, v31;
	[tilespmem:v59+s15+$0x0] =	vst.idx.add.f32.msk $0xffff, v10  }
0x126: {  	v12 =	vand.u32 $0xFFFF0000, v15;
	v15 =	vshll.u32 v7, $0x10;
	v63 =	vmul.f32 v2, v31;
	[tilespmem:v14+s15+$0x0] =	vst.idx.add.f32.msk $0xffff, v4  }
0x127: {  	v7 =	vand.u32 $0xFFFF0000, v7;
	v10 =	vmul.f32 v3, v33;
	v13 =	vmul.f32 v12, v33;
	[tilespmem:v11+s15+$0x0] =	vst.idx.add.f32.msk $0xffff, v8  }
0x128: {  	s22 =	simm.s32 $0x0;
	s23 =	simm.s32 $0x12F70;
	v2 =	vadd.s32 $0x7800, v52;
	v4 =	vmul.f32 v15, v35;
	v3 =	vmul.f32 v7, v35;
	[tilespmem:v9+s15+$0x0] =	vst.idx.add.f32.msk $0xffff, v63  }
.LBB2_7:
0x129: {  	v18 =	vld [tilespmem:s23+$0x0]  }
0x12a: {  	v7 =	vld [tilespmem:s23+$0xFFFFFFA0]  }
0x12b: {  	s22 =	sadd.s32 $0x80, s22;
	v8 =	vld [tilespmem:s23+$0xFFFFFFB0]  }
0x12c: {  	p0 =	slt.u32 s22, $0x3E00;
	v12 =	vld [tilespmem:s23+$0xFFFFFFC0]  }
0x12d: {  	v15 =	vld [tilespmem:s23+$0xFFFFFFD0]  }
0x12e: {  	v16 =	vld [tilespmem:s23+$0xFFFFFFE0];
	v19 =	vand.u32 $0xFFFF, v18  }
0x12f: {  	v11 =	vshrl.u32 v7, $0x10;
	v20 =	vand.u32 $0xFFFF, v7;
	v21 =	vld [tilespmem:s23+$0xFFFFFFF0]  }
0x130: {  	v22 =	vld [tilespmem:s23+$0xFFFFFF90];
	v14 =	vadd.s32 $0x5000, v11;
	v7 =	vshrl.u32 v8, $0x10;
	v23 =	vand.u32 $0xFFFF, v8  }
0x131: {  	v9 =	vadd.s32 $0x5000, v7;
	v8 =	vshrl.u32 v12, $0x10;
	v24 =	vand.u32 $0xFFFF, v12;
	[tilespmem:v5+s15+$0x0] =	vst.idx.add.f32.msk $0xffff, v10  }
0x132: {  	v12 =	vadd.s32 $0x5000, v8;
	v10 =	vshrl.u32 v15, $0x10;
	v5 =	vand.u32 $0xFFFF, v15;
	[tilespmem:v6+s15+$0x0] =	vst.idx.add.f32.msk $0xffff, v13  }
0x133: {  	v15 =	vadd.s32 $0x5000, v10;
	v13 =	vshrl.u32 v16, $0x10;
	v6 =	vand.u32 $0xFFFF, v16;
	v25 =	vld.idx.msk [tilespmem:v19+s3+$0x0], $0xffff  }
0x134: {  	s21 =	sadd.s32 $0x80, s21;
	v26 =	vld.idx.msk [tilespmem:v20+s3+$0x0], $0xffff;
	v17 =	vadd.s32 $0x5000, v13;
	v16 =	vshrl.u32 v21, $0x10;
	v21 =	vand.u32 $0xFFFF, v21  }
0x135: {  	v27 =	vshrl.u32 v22, $0x10;
	v22 =	vand.u32 $0xFFFF, v22;
	v28 =	vadd.s32 $0x5000, v16;
	v29 =	vld [tilespmem:s21+$0x0]  }
0x136: {  	v32 =	vadd.s32 $0x2800, v20;
	v30 =	vadd.s32 $0x5000, v27;
	v31 =	vadd.s32 $0x2800, v22;
	v20 =	vld.idx.msk [tilespmem:v23+s3+$0x0], $0xffff  }
0x137: {  	v34 =	vshrl.u32 v18, $0x10;
	v33 =	vadd.s32 $0x2800, v23;
	v23 =	vld.idx.msk [tilespmem:v24+s3+$0x0], $0xffff;
	v24 =	vadd.s32 $0x2800, v24  }
0x138: {  	v36 =	vadd.s32 $0x2800, v5;
	v37 =	vadd.s32 $0x2800, v6;
	v35 =	vld.idx.msk [tilespmem:v5+s3+$0x0], $0xffff;
	v5 =	vadd.s32 $0x5000, v34  }
0x139: {  	v39 =	vadd.s32 $0x2800, v19;
	v38 =	vadd.s32 $0x2800, v21;
	v18 =	vshll.u32 v25, $0x10;
	v6 =	vld.idx.msk [tilespmem:v6+s3+$0x0], $0xffff  }
0x13a: {  	v19 =	vand.u32 $0xFFFF0000, v25;
	v41 =	vshll.u32 v26, $0x10;
	v40 =	vld.idx.msk [tilespmem:v22+s3+$0x0], $0xffff;
	v22 =	vmul.f32 v18, v29  }
0x13b: {  	v25 =	vand.u32 $0xFFFF0000, v26;
	v18 =	vadd.s32 $0x2800, v27;
	v26 =	vld.idx.msk [tilespmem:v21+s3+$0x0], $0xffff;
	v21 =	vmul.f32 v19, v29  }
0x13c: {  	v19 =	vadd.s32 $0x7800, v27;
	v42 =	vshll.u32 v20, $0x10;
	v43 =	vand.u32 $0xFFFF0000, v20;
	[tilespmem:v34+s15+$0x0] =	vst.idx.add.f32.msk $0xffff, v22  }
0x13d: {  	v20 =	vadd.s32 $0x2800, v11;
	v44 =	vshll.u32 v23, $0x10;
	v45 =	vand.u32 $0xFFFF0000, v23;
	[tilespmem:v5+s15+$0x0] =	vst.idx.add.f32.msk $0xffff, v21  }
0x13e: {  	v21 =	vadd.s32 $0x7800, v11;
	v46 =	vshll.u32 v35, $0x10;
	v35 =	vand.u32 $0xFFFF0000, v35;
	v39 =	vld.idx.msk [tilespmem:v39+s3+$0x0], $0xffff  }
0x13f: {  	v22 =	vadd.s32 $0x2800, v7;
	v48 =	vshll.u32 v6, $0x10;
	v49 =	vand.u32 $0xFFFF0000, v6;
	v47 =	vld [tilespmem:s21+$0xFFFFFF90]  }
0x140: {  	v51 =	vadd.s32 $0x7800, v7;
	v6 =	vshll.u32 v40, $0x10;
	v40 =	vand.u32 $0xFFFF0000, v40;
	v50 =	vld [tilespmem:s21+$0xFFFFFFA0]  }
0x141: {  	v53 =	vadd.s32 $0x2800, v8;
	v54 =	vshll.u32 v26, $0x10;
	v26 =	vand.u32 $0xFFFF0000, v26;
	v52 =	vld [tilespmem:s21+$0xFFFFFFB0]  }
0x142: {  	v57 =	vadd.s32 $0x2800, v34;
	v56 =	vadd.s32 $0x7800, v8;
	v23 =	vadd.s32 $0x2800, v10;
	v55 =	vld [tilespmem:s21+$0xFFFFFFC0]  }
0x143: {  	v59 =	vadd.s32 $0x7800, v10;
	v34 =	vadd.s32 $0x7800, v34;
	v5 =	vadd.s32 $0x2800, v13;
	v58 =	vld [tilespmem:s21+$0xFFFFFFD0]  }
0x144: {  	v61 =	vshll.u32 v39, $0x10;
	v6 =	vmul.f32 v6, v47;
	v40 =	vmul.f32 v40, v47;
	v60 =	vld [tilespmem:s21+$0xFFFFFFE0]  }
0x145: {  	v39 =	vand.u32 $0xFFFF0000, v39;
	v61 =	vmul.f32 v61, v29;
	v41 =	vmul.f32 v41, v50;
	v62 =	vld [tilespmem:s21+$0xFFFFFFF0]  }
0x146: {  	v25 =	vmul.f32 v25, v50;
	[tilespmem:v27+s15+$0x0] =	vst.idx.add.f32.msk $0xffff, v6;
	v6 =	vadd.s32 $0x7800, v13;
	v27 =	vmul.f32 v39, v29  }
0x147: {  	v29 =	vmul.f32 v42, v52;
	v39 =	vmul.f32 v43, v52;
	v42 =	vadd.s32 $0x2800, v16;
	[tilespmem:v57+s15+$0x0] =	vst.idx.add.f32.msk $0xffff, v61  }
0x148: {  	v43 =	vmul.f32 v44, v55;
	v44 =	vmul.f32 v45, v55;
	v45 =	vadd.s32 $0x7800, v16;
	[tilespmem:v34+s15+$0x0] =	vst.idx.add.f32.msk $0xffff, v27  }
0x149: {  	v27 =	vmul.f32 v46, v58;
	[tilespmem:v30+s15+$0x0] =	vst.idx.add.f32.msk $0xffff, v40;
	v30 =	vmul.f32 v35, v58  }
0x14a: {  	v34 =	vmul.f32 v49, v60;
	[tilespmem:v11+s15+$0x0] =	vst.idx.add.f32.msk $0xffff, v41;
	v11 =	vmul.f32 v48, v60  }
0x14b: {  	[tilespmem:v14+s15+$0x0] =	vst.idx.add.f32.msk $0xffff, v25;
	v14 =	vmul.f32 v54, v62;
	v25 =	vmul.f32 v26, v62  }
0x14c: {  	[tilespmem:v7+s15+$0x0] =	vst.idx.add.f32.msk $0xffff, v29  }
0x14d: {  	[tilespmem:v9+s15+$0x0] =	vst.idx.add.f32.msk $0xffff, v39  }
0x14e: {  	[tilespmem:v8+s15+$0x0] =	vst.idx.add.f32.msk $0xffff, v43  }
0x14f: {  	[tilespmem:v12+s15+$0x0] =	vst.idx.add.f32.msk $0xffff, v44  }
0x150: {  	[tilespmem:v10+s15+$0x0] =	vst.idx.add.f32.msk $0xffff, v27  }
0x151: {  	[tilespmem:v15+s15+$0x0] =	vst.idx.add.f32.msk $0xffff, v30  }
0x152: {  	[tilespmem:v13+s15+$0x0] =	vst.idx.add.f32.msk $0xffff, v11  }
0x153: {  	[tilespmem:v17+s15+$0x0] =	vst.idx.add.f32.msk $0xffff, v34  }
0x154: {  	[tilespmem:v16+s15+$0x0] =	vst.idx.add.f32.msk $0xffff, v14  }
0x155: {  	[tilespmem:v28+s15+$0x0] =	vst.idx.add.f32.msk $0xffff, v25  }
0x156: {  	v7 =	vld.idx.msk [tilespmem:v31+s3+$0x0], $0xffff  }
0x157: {  	v8 =	vld.idx.msk [tilespmem:v32+s3+$0x0], $0xffff  }
0x158: {  	v9 =	vld.idx.msk [tilespmem:v33+s3+$0x0], $0xffff  }
0x159: {  	v10 =	vld.idx.msk [tilespmem:v24+s3+$0x0], $0xffff  }
0x15a: {  	v11 =	vld.idx.msk [tilespmem:v36+s3+$0x0], $0xffff  }
0x15b: {  	v12 =	vld.idx.msk [tilespmem:v37+s3+$0x0], $0xffff  }
0x15c: {  	v13 =	vshll.u32 v7, $0x10;
	v7 =	vand.u32 $0xFFFF0000, v7;
	v14 =	vld.idx.msk [tilespmem:v38+s3+$0x0], $0xffff  }
0x15d: {  	v13 =	vmul.f32 v13, v47;
	v15 =	vshll.u32 v8, $0x10;
	v8 =	vand.u32 $0xFFFF0000, v8;
	[tilespmem:v1+s15+$0x0] =	vst.idx.add.f32.msk $0xffff, v4;
	v1 =	vmovc v42  }
0x15e: {  	v4 =	vmul.f32 v7, v47;
	v7 =	vshll.u32 v9, $0x10;
	v9 =	vand.u32 $0xFFFF0000, v9;
	[tilespmem:v2+s15+$0x0] =	vst.idx.add.f32.msk $0xffff, v3;
	v2 =	vmovc v45  }
0x15f: {  	v3 =	vmul.f32 v15, v50;
	[tilespmem:v18+s15+$0x0] =	vst.idx.add.f32.msk $0xffff, v13;
	v13 =	vshll.u32 v10, $0x10;
	v10 =	vand.u32 $0xFFFF0000, v10  }
0x160: {  	[tilespmem:v19+s15+$0x0] =	vst.idx.add.f32.msk $0xffff, v4;
	v4 =	vmul.f32 v8, v50;
	v8 =	vshll.u32 v11, $0x10;
	v11 =	vand.u32 $0xFFFF0000, v11  }
0x161: {  	[tilespmem:v20+s15+$0x0] =	vst.idx.add.f32.msk $0xffff, v3;
	v3 =	vmul.f32 v7, v52;
	v7 =	vshll.u32 v12, $0x10;
	v12 =	vand.u32 $0xFFFF0000, v12  }
0x162: {  	[tilespmem:v21+s15+$0x0] =	vst.idx.add.f32.msk $0xffff, v4;
	v4 =	vmul.f32 v9, v52;
	v9 =	vshll.u32 v14, $0x10;
	v14 =	vand.u32 $0xFFFF0000, v14  }
0x163: {  	v15 =	vmul.f32 v10, v55;
	[tilespmem:v22+s15+$0x0] =	vst.idx.add.f32.msk $0xffff, v3;
	v3 =	vmul.f32 v13, v55  }
.Ltmp2:
0x164: {  	v8 =	vmul.f32 v8, v58;
	v11 =	vmul.f32 v11, v58;
	[tilespmem:v51+s15+$0x0] =	vst.idx.add.f32.msk $0xffff, v4;
	(pc) =	sbr.rel @p0 .LBB2_7-.Ltmp2, $4  }
0x165: {  	v10 =	vmul.f32 v7, v60;
	v13 =	vmul.f32 v12, v60;
	[tilespmem:v53+s15+$0x0] =	vst.idx.add.f32.msk $0xffff, v3  }
0x166: {  	v4 =	vmul.f32 v9, v62;
	v3 =	vmul.f32 v14, v62;
	[tilespmem:v56+s15+$0x0] =	vst.idx.add.f32.msk $0xffff, v15  }
0x167: {  	[tilespmem:v23+s15+$0x0] =	vst.idx.add.f32.msk $0xffff, v8  }
0x168: {  	s23 =	sadd.s32 $0x80, s23;
	[tilespmem:v59+s15+$0x0] =	vst.idx.add.f32.msk $0xffff, v11  }
0x169: {  	_ = 	snop  }
0x16a: {  	s20 =	sadd.s32 $0x1, s20  }
0x16b: {  	p0 =	sne.s32 s20, $0xA  }
.Ltmp3:
0x16c: {  	_ = 	snop;
	(pc) =	sbr.rel @p0 .LBB2_4-.Ltmp3, $4  }
0x16d: {  	[tilespmem:v5+s15+$0x0] =	vst.idx.add.f32.msk $0xffff, v10  }
0x16e: {  	[tilespmem:v1+s15+$0x0] =	vst.idx.add.f32.msk $0xffff, v4  }
0x16f: {  	[tilespmem:v6+s15+$0x0] =	vst.idx.add.f32.msk $0xffff, v13  }
0x170: {  	[tilespmem:v2+s15+$0x0] =	vst.idx.add.f32.msk $0xffff, v3  }
0x171: {  	[hbm4b:s6+s3] =	stream.linear.scatter [tilespmem:s15], [sflag:$0x4], $0x5000, $0x38;
	[tilespmem:$0x1EA00] =	vst v63  }
0x172: {  	s19 =	sadd.s32 $0x1, s19;
	_ =	swait.ge [sflag:s17], $0x5000  }
0x173: {  	p0 =	sne.s32 s19, s8;
	[sflag:s17] =	ssyncset.done $0x0  }
.Ltmp4:
0x174: {  	[sflag:s17] =	ssyncadd.s32 $0xFFFFB000;
	(pc) =	sbr.rel @p0 .LBB2_1-.Ltmp4, $4  }
0x175: {  	[hbm4b:s7+s3] =	stream.linear.scatter [tilespmem:s18], [sflag:$0x4], $0x5000, $0x38;
	[tilespmem:$0x1EA00] =	vst v63  }
0x176: {  	_ =	swait.ge [sflag:s17], $0x5000  }
0x177: {  	[sflag:s17] =	ssyncset.done $0x0  }
0x178: {  	[sflag:s17] =	ssyncadd.s32 $0xFFFFB000  }
0x179: {  	_ =	sfence.sel $0x180000  }
0x17a: {  	[bflag:$0x0] =	sbarrier.arrive $0xFFFF  }
0x17b: {  	p0 =	sne.s32 s0, $0x0;
	_ =	strace $0x90000047  }
0x17c: {  	s0 =	sadd.s32 @!p0 $0x100000, s1;
	[bflag:$0x2] =	sbarrier.arrive $0xFFFF  }
0x17d: {  	[sflag:s0] =	ssyncadd.tile.s32 @!p0 $0x1;
	_ =	shalt  }
.Lfunc_end2:
_tile_overlayer_lowered:
.L_overlay_start_2:
0x17e: {  	(tag) =	ssettag $0x2  }
0x17f: {  	s0 =	rddreg [dreg:$0x0];
	s2 =	stileid.u32  }
0x180: {  	s1 =	rddreg [dreg:$0x1];
	p0 =	sne.s32 s2, $0x0  }
0x181: {  	s3 =	rddreg [dreg:$0x2];
	[bflag:$0x3] =	sbarrier.arrive $0xFFFF;
	s2 =	simm.s32 @!p0 $0x1C04  }
0x182: {  	[timem:s3], [sflag:s2] =	dma.local @!p0 [hbm:s0], s1  }
0x183: {  	s0 =	simm.s32 @!p0 $0x4  }
0x184: {  	_ =	swait.ge @!p0 [sflag:s0], s1  }
0x185: {  	s1 =	ssub.s32 @!p0 $0x0, s1;
	[sflag:s0] =	ssyncset.done @!p0 $0x0  }
0x186: {  	[sflag:s0] =	ssyncadd.s32 @!p0 s1  }
0x187: {  	[bflag:$0x3] =	sbarrier.arrive $0xFFFF  }
0x188: {  	_ =	shalt  }

</sc_bundles>
